<compile_context>
chip_gen: v7x
topology: tpu7x:2x2x1
jax: 0.10.2.dev20260603
libtpu: 0.0.44.dev20260713+nightly
codegen_flags: <defaults>
</compile_context>

<pallas_src>
import functools

import jax
import jax.numpy as jnp
from jax import lax
from jax.experimental import pallas as pl
from jax.experimental.pallas import tpu as pltpu
from jax.experimental.pallas import tpu_sc as plsc

_D = 32
_B = 16384
_L = 16

_info = plsc.get_sparse_core_info()
_NC, _NS = _info.num_cores, _info.num_subcores
_NW = _NC * _NS
_BPW = _B // _NW
_CHUNK = 128
_NCHUNK = _BPW // _CHUNK


def _cf_body(uid_hbm, pid_hbm, ut_hbm, pt_hbm, out_hbm,
             uid_v, pid_v, urows, prows, outc, sem_u, sem_p):
    wid = lax.axis_index("s") * _NC + lax.axis_index("c")
    pltpu.sync_copy(uid_hbm.at[pl.ds(wid * _NCHUNK, _NCHUNK)], uid_v)
    pltpu.sync_copy(pid_hbm.at[pl.ds(wid * _NCHUNK, _NCHUNK)], pid_v)
    copies = []
    for j in range(_NCHUNK):
        copies.append(pltpu.async_copy(
            ut_hbm.at[uid_v.at[j]], urows.at[pl.ds(j * _CHUNK, _CHUNK)], sem_u))
        copies.append(pltpu.async_copy(
            pt_hbm.at[pid_v.at[j]], prows.at[pl.ds(j * _CHUNK, _CHUNK)], sem_p))
    for c in copies:
        c.wait()

    lanes = lax.iota(jnp.int32, _L)

    def group(g, carry):
        base = g * _L
        acc = jnp.zeros((_L,), jnp.float32)
        for i in range(_L):
            b = base + i
            u0 = urows[b, pl.ds(0, _L)]
            u1 = urows[b, pl.ds(_L, _L)]
            p0 = prows[b, pl.ds(0, _L)]
            p1 = prows[b, pl.ds(_L, _L)]
            tot = jnp.sum(u0 * p0 + u1 * p1)
            acc = jnp.where(lanes == i, tot, acc)
        outc[pl.ds(base, _L)] = 1.0 / (1.0 + jnp.exp(-acc))
        return carry

    lax.fori_loop(0, _BPW // _L, group, 0)
    pltpu.sync_copy(outc, out_hbm.at[pl.ds(wid * _BPW, _BPW)])


@jax.jit
def kernel(user_ids, post_ids, user_table, post_table):
    uid = user_ids.astype(jnp.int32).reshape(_B // _CHUNK, _CHUNK)
    pid = post_ids.astype(jnp.int32).reshape(_B // _CHUNK, _CHUNK)
    mesh = plsc.VectorSubcoreMesh(core_axis_name="c", subcore_axis_name="s")
    f = pl.kernel(
        _cf_body,
        out_type=jax.ShapeDtypeStruct((_B,), jnp.float32),
        mesh=mesh,
        compiler_params=pltpu.CompilerParams(
            needs_layout_passes=False, use_tc_tiling_on_sc=False),
        scratch_types=[
            pltpu.VMEM((_NCHUNK, _CHUNK), jnp.int32),
            pltpu.VMEM((_NCHUNK, _CHUNK), jnp.int32),
            pltpu.VMEM((_BPW, _D), jnp.float32),
            pltpu.VMEM((_BPW, _D), jnp.float32),
            pltpu.VMEM((_BPW,), jnp.float32),
            pltpu.SemaphoreType.DMA,
            pltpu.SemaphoreType.DMA,
        ],
    )
    return f(uid, pid, user_table, post_table)

# --- scband reference (transcript-rebuilt; emitter-appended) ---
"""Pipeline reference for scband-collaborative-filtering-model-10033043604027 (READ-ONLY COPY).

The authoritative reference and input builder live on the scoring server;
editing this copy changes nothing except your own understanding.
"""

import jax, jax.numpy as jnp
import numpy as np

NUM_USERS = 1000000
NUM_POSTS = 1000000
EMBED_DIM = 32
BATCH = 16384

def setup_inputs(seed: int = 0) -> dict:
    key = jax.random.key(seed)
    k1, k2, k3, k4 = jax.random.split(key, 4)
    user_ids = jax.random.randint(k1, (BATCH,), 0, NUM_USERS, dtype=jnp.int64) if jax.config.jax_enable_x64 else jax.random.randint(k1, (BATCH,), 0, NUM_USERS, dtype=jnp.int32)
    post_ids = jax.random.randint(k2, (BATCH,), 0, NUM_POSTS, dtype=jnp.int32)
    user_table = jax.random.normal(k3, (NUM_USERS, EMBED_DIM), dtype=jnp.float32)
    post_table = jax.random.normal(k4, (NUM_POSTS, EMBED_DIM), dtype=jnp.float32)
    return {"user_ids": user_ids, "post_ids": post_ids, "user_table": user_table, "post_table": post_table}

def reference(user_ids, post_ids, user_table, post_table):
    user_ids = user_ids % NUM_USERS
    post_ids = post_ids % NUM_POSTS
    user_embedded = jnp.take(user_table, user_ids, axis=0)
    post_embedded = jnp.take(post_table, post_ids, axis=0)
    interaction = (user_embedded * post_embedded).sum(axis=1)
    prediction = jax.nn.sigmoid(interaction)
    return prediction

if __name__ == "__main__":
    import jax
    _d = setup_inputs()
    print(jax.jit(kernel)(*tuple(_d.values())))

</pallas_src>

<mosaic_0001>
#map = affine_map<(d0, d1) -> (0, 0)>
#map1 = affine_map<(d0, d1) -> (0)>
module attributes {stable_mosaic.version = 14 : i64} {
  func.func @_cf_body(%arg0: i32, %arg1: i32, %arg2: memref<128x128xi32, #tpu.memory_space<hbm>>, %arg3: memref<128x128xi32, #tpu.memory_space<hbm>>, %arg4: memref<1000000x32xf32, #tpu.memory_space<hbm>>, %arg5: memref<1000000x32xf32, #tpu.memory_space<hbm>>, %arg6: memref<16384xf32, #tpu.memory_space<hbm>>, %arg7: memref<4x128xi32, #tpu.memory_space<vmem>>, %arg8: memref<4x128xi32, #tpu.memory_space<vmem>>, %arg9: memref<512x32xf32, #tpu.memory_space<vmem>>, %arg10: memref<512x32xf32, #tpu.memory_space<vmem>>, %arg11: memref<512xf32, #tpu.memory_space<vmem>>, %arg12: memref<!tpu.dma_semaphore, #tpu.memory_space<semaphore_mem>>, %arg13: memref<!tpu.dma_semaphore, #tpu.memory_space<semaphore_mem>>) attributes {dimension_semantics = [#tpu.dimension_semantics<core_parallel>, #tpu.dimension_semantics<subcore_parallel>], iteration_bounds = array<i64: 2, 16>, scalar_prefetch = 0 : i64, scratch_operands = 7 : i64, tpu.core_type = #tpu.core_type<sc_vector_subcore>, window_params = [{transform_indices = #map}, {transform_indices = #map}, {transform_indices = #map}, {transform_indices = #map}, {transform_indices = #map1}]} {
    %mul3A = arith.constant 2 : i32
    %mul3A_0 = arith.muli %arg1, %mul3A : i32
    %add3A = arith.addi %mul3A_0, %arg0 : i32
    %mul3A_1 = arith.constant 4 : i32
    %mul3A_2 = arith.muli %add3A, %mul3A_1 : i32
    "tpu.region"() ({
      %run_scoped3A = tpu.sem_alloc : memref<!tpu.dma_semaphore, #tpu.memory_space<semaphore_mem>>
      %dma_start3A_170 = arith.constant 0 : i32
      %dma_start3A_171 = tpu.memref_slice %arg2[%mul3A_2, %dma_start3A_170] : memref<128x128xi32, #tpu.memory_space<hbm>> -> memref<4x128xi32, #tpu.memory_space<hbm>>
      %dma_start3A_172 = arith.constant 0 : i32
      %dma_start3A_173 = tpu.memref_slice %arg2[%mul3A_2, %dma_start3A_172] : memref<128x128xi32, #tpu.memory_space<hbm>> -> memref<4x128xi32, #tpu.memory_space<hbm>>
      tpu.enqueue_dma source(%dma_start3A_173 : memref<4x128xi32, #tpu.memory_space<hbm>>) target(%arg7 : memref<4x128xi32, #tpu.memory_space<vmem>>) target_semaphore(%run_scoped3A : memref<!tpu.dma_semaphore, #tpu.memory_space<semaphore_mem>>)
      %dma_wait3A_174 = arith.constant 0 : i32
      %dma_wait3A_175 = tpu.memref_slice %arg2[%mul3A_2, %dma_wait3A_174] : memref<128x128xi32, #tpu.memory_space<hbm>> -> memref<4x128xi32, #tpu.memory_space<hbm>>
      %dma_wait3A_176 = arith.constant 0 : i32
      %dma_wait3A_177 = tpu.memref_slice %arg2[%mul3A_2, %dma_wait3A_176] : memref<128x128xi32, #tpu.memory_space<hbm>> -> memref<4x128xi32, #tpu.memory_space<hbm>>
      tpu.wait_dma2 semaphore(%run_scoped3A : memref<!tpu.dma_semaphore, #tpu.memory_space<semaphore_mem>>) src(%dma_wait3A_177 : memref<4x128xi32, #tpu.memory_space<hbm>>) dst(%arg7 : memref<4x128xi32, #tpu.memory_space<vmem>>)
      tpu.yield
    }) : () -> ()
    %mul3A_3 = arith.constant 4 : i32
    %mul3A_4 = arith.muli %add3A, %mul3A_3 : i32
    "tpu.region"() ({
      %run_scoped3A = tpu.sem_alloc : memref<!tpu.dma_semaphore, #tpu.memory_space<semaphore_mem>>
      %dma_start3A_170 = arith.constant 0 : i32
      %dma_start3A_171 = tpu.memref_slice %arg3[%mul3A_4, %dma_start3A_170] : memref<128x128xi32, #tpu.memory_space<hbm>> -> memref<4x128xi32, #tpu.memory_space<hbm>>
      %dma_start3A_172 = arith.constant 0 : i32
      %dma_start3A_173 = tpu.memref_slice %arg3[%mul3A_4, %dma_start3A_172] : memref<128x128xi32, #tpu.memory_space<hbm>> -> memref<4x128xi32, #tpu.memory_space<hbm>>
      tpu.enqueue_dma source(%dma_start3A_173 : memref<4x128xi32, #tpu.memory_space<hbm>>) target(%arg8 : memref<4x128xi32, #tpu.memory_space<vmem>>) target_semaphore(%run_scoped3A : memref<!tpu.dma_semaphore, #tpu.memory_space<semaphore_mem>>)
      %dma_wait3A_174 = arith.constant 0 : i32
      %dma_wait3A_175 = tpu.memref_slice %arg3[%mul3A_4, %dma_wait3A_174] : memref<128x128xi32, #tpu.memory_space<hbm>> -> memref<4x128xi32, #tpu.memory_space<hbm>>
      %dma_wait3A_176 = arith.constant 0 : i32
      %dma_wait3A_177 = tpu.memref_slice %arg3[%mul3A_4, %dma_wait3A_176] : memref<128x128xi32, #tpu.memory_space<hbm>> -> memref<4x128xi32, #tpu.memory_space<hbm>>
      tpu.wait_dma2 semaphore(%run_scoped3A : memref<!tpu.dma_semaphore, #tpu.memory_space<semaphore_mem>>) src(%dma_wait3A_177 : memref<4x128xi32, #tpu.memory_space<hbm>>) dst(%arg8 : memref<4x128xi32, #tpu.memory_space<vmem>>)
      tpu.yield
    }) : () -> ()
    %dma_start3A = arith.constant 0 : i32
    %dma_start3A_5 = arith.constant 0 : i32
    %dma_start3A_6 = arith.constant 0 : i32
    %dma_start3A_7 = tpu.memref_slice %arg9[%dma_start3A_5, %dma_start3A_6] : memref<512x32xf32, #tpu.memory_space<vmem>> -> memref<128x32xf32, #tpu.memory_space<vmem>>
    %dma_start3A_8 = arith.constant 0 : i32
    %dma_start3A_9 = tpu.memref_slice %arg7[%dma_start3A, %dma_start3A_8] : memref<4x128xi32, #tpu.memory_space<vmem>> -> memref<1x128xi32, #tpu.memory_space<vmem>>
    %dma_start3A_10 = tpu.memref_squeeze %dma_start3A_9 : memref<1x128xi32, #tpu.memory_space<vmem>> -> memref<128xi32, #tpu.memory_space<vmem>>
    %dma_start3A_11 = arith.constant 0 : i32
    %dma_start3A_12 = arith.constant 0 : i32
    %dma_start3A_13 = tpu.memref_slice %arg4[%dma_start3A_11, %dma_start3A_12] : memref<1000000x32xf32, #tpu.memory_space<hbm>> -> memref<1000000x32xf32, #tpu.memory_space<hbm>>
    tpu.enqueue_indirect_dma source(%dma_start3A_13 : memref<1000000x32xf32, #tpu.memory_space<hbm>>) target(%dma_start3A_7 : memref<128x32xf32, #tpu.memory_space<vmem>>) offsets(%dma_start3A_10 : memref<128xi32, #tpu.memory_space<vmem>>) semaphore(%arg12 : memref<!tpu.dma_semaphore, #tpu.memory_space<semaphore_mem>>)
    %dma_start3A_14 = arith.constant 0 : i32
    %dma_start3A_15 = arith.constant 0 : i32
    %dma_start3A_16 = arith.constant 0 : i32
    %dma_start3A_17 = tpu.memref_slice %arg10[%dma_start3A_15, %dma_start3A_16] : memref<512x32xf32, #tpu.memory_space<vmem>> -> memref<128x32xf32, #tpu.memory_space<vmem>>
    %dma_start3A_18 = arith.constant 0 : i32
    %dma_start3A_19 = tpu.memref_slice %arg8[%dma_start3A_14, %dma_start3A_18] : memref<4x128xi32, #tpu.memory_space<vmem>> -> memref<1x128xi32, #tpu.memory_space<vmem>>
    %dma_start3A_20 = tpu.memref_squeeze %dma_start3A_19 : memref<1x128xi32, #tpu.memory_space<vmem>> -> memref<128xi32, #tpu.memory_space<vmem>>
    %dma_start3A_21 = arith.constant 0 : i32
    %dma_start3A_22 = arith.constant 0 : i32
    %dma_start3A_23 = tpu.memref_slice %arg5[%dma_start3A_21, %dma_start3A_22] : memref<1000000x32xf32, #tpu.memory_space<hbm>> -> memref<1000000x32xf32, #tpu.memory_space<hbm>>
    tpu.enqueue_indirect_dma source(%dma_start3A_23 : memref<1000000x32xf32, #tpu.memory_space<hbm>>) target(%dma_start3A_17 : memref<128x32xf32, #tpu.memory_space<vmem>>) offsets(%dma_start3A_20 : memref<128xi32, #tpu.memory_space<vmem>>) semaphore(%arg13 : memref<!tpu.dma_semaphore, #tpu.memory_space<semaphore_mem>>)
    %dma_start3A_24 = arith.constant 1 : i32
    %dma_start3A_25 = arith.constant 128 : i32
    %dma_start3A_26 = arith.constant 0 : i32
    %dma_start3A_27 = tpu.memref_slice %arg9[%dma_start3A_25, %dma_start3A_26] : memref<512x32xf32, #tpu.memory_space<vmem>> -> memref<128x32xf32, #tpu.memory_space<vmem>>
    %dma_start3A_28 = arith.constant 0 : i32
    %dma_start3A_29 = tpu.memref_slice %arg7[%dma_start3A_24, %dma_start3A_28] : memref<4x128xi32, #tpu.memory_space<vmem>> -> memref<1x128xi32, #tpu.memory_space<vmem>>
    %dma_start3A_30 = tpu.memref_squeeze %dma_start3A_29 : memref<1x128xi32, #tpu.memory_space<vmem>> -> memref<128xi32, #tpu.memory_space<vmem>>
    %dma_start3A_31 = arith.constant 0 : i32
    %dma_start3A_32 = arith.constant 0 : i32
    %dma_start3A_33 = tpu.memref_slice %arg4[%dma_start3A_31, %dma_start3A_32] : memref<1000000x32xf32, #tpu.memory_space<hbm>> -> memref<1000000x32xf32, #tpu.memory_space<hbm>>
    tpu.enqueue_indirect_dma source(%dma_start3A_33 : memref<1000000x32xf32, #tpu.memory_space<hbm>>) target(%dma_start3A_27 : memref<128x32xf32, #tpu.memory_space<vmem>>) offsets(%dma_start3A_30 : memref<128xi32, #tpu.memory_space<vmem>>) semaphore(%arg12 : memref<!tpu.dma_semaphore, #tpu.memory_space<semaphore_mem>>)
    %dma_start3A_34 = arith.constant 1 : i32
    %dma_start3A_35 = arith.constant 128 : i32
    %dma_start3A_36 = arith.constant 0 : i32
    %dma_start3A_37 = tpu.memref_slice %arg10[%dma_start3A_35, %dma_start3A_36] : memref<512x32xf32, #tpu.memory_space<vmem>> -> memref<128x32xf32, #tpu.memory_space<vmem>>
    %dma_start3A_38 = arith.constant 0 : i32
    %dma_start3A_39 = tpu.memref_slice %arg8[%dma_start3A_34, %dma_start3A_38] : memref<4x128xi32, #tpu.memory_space<vmem>> -> memref<1x128xi32, #tpu.memory_space<vmem>>
    %dma_start3A_40 = tpu.memref_squeeze %dma_start3A_39 : memref<1x128xi32, #tpu.memory_space<vmem>> -> memref<128xi32, #tpu.memory_space<vmem>>
    %dma_start3A_41 = arith.constant 0 : i32
    %dma_start3A_42 = arith.constant 0 : i32
    %dma_start3A_43 = tpu.memref_slice %arg5[%dma_start3A_41, %dma_start3A_42] : memref<1000000x32xf32, #tpu.memory_space<hbm>> -> memref<1000000x32xf32, #tpu.memory_space<hbm>>
    tpu.enqueue_indirect_dma source(%dma_start3A_43 : memref<1000000x32xf32, #tpu.memory_space<hbm>>) target(%dma_start3A_37 : memref<128x32xf32, #tpu.memory_space<vmem>>) offsets(%dma_start3A_40 : memref<128xi32, #tpu.memory_space<vmem>>) semaphore(%arg13 : memref<!tpu.dma_semaphore, #tpu.memory_space<semaphore_mem>>)
    %dma_start3A_44 = arith.constant 2 : i32
    %dma_start3A_45 = arith.constant 256 : i32
    %dma_start3A_46 = arith.constant 0 : i32
    %dma_start3A_47 = tpu.memref_slice %arg9[%dma_start3A_45, %dma_start3A_46] : memref<512x32xf32, #tpu.memory_space<vmem>> -> memref<128x32xf32, #tpu.memory_space<vmem>>
    %dma_start3A_48 = arith.constant 0 : i32
    %dma_start3A_49 = tpu.memref_slice %arg7[%dma_start3A_44, %dma_start3A_48] : memref<4x128xi32, #tpu.memory_space<vmem>> -> memref<1x128xi32, #tpu.memory_space<vmem>>
    %dma_start3A_50 = tpu.memref_squeeze %dma_start3A_49 : memref<1x128xi32, #tpu.memory_space<vmem>> -> memref<128xi32, #tpu.memory_space<vmem>>
    %dma_start3A_51 = arith.constant 0 : i32
    %dma_start3A_52 = arith.constant 0 : i32
    %dma_start3A_53 = tpu.memref_slice %arg4[%dma_start3A_51, %dma_start3A_52] : memref<1000000x32xf32, #tpu.memory_space<hbm>> -> memref<1000000x32xf32, #tpu.memory_space<hbm>>
    tpu.enqueue_indirect_dma source(%dma_start3A_53 : memref<1000000x32xf32, #tpu.memory_space<hbm>>) target(%dma_start3A_47 : memref<128x32xf32, #tpu.memory_space<vmem>>) offsets(%dma_start3A_50 : memref<128xi32, #tpu.memory_space<vmem>>) semaphore(%arg12 : memref<!tpu.dma_semaphore, #tpu.memory_space<semaphore_mem>>)
    %dma_start3A_54 = arith.constant 2 : i32
    %dma_start3A_55 = arith.constant 256 : i32
    %dma_start3A_56 = arith.constant 0 : i32
    %dma_start3A_57 = tpu.memref_slice %arg10[%dma_start3A_55, %dma_start3A_56] : memref<512x32xf32, #tpu.memory_space<vmem>> -> memref<128x32xf32, #tpu.memory_space<vmem>>
    %dma_start3A_58 = arith.constant 0 : i32
    %dma_start3A_59 = tpu.memref_slice %arg8[%dma_start3A_54, %dma_start3A_58] : memref<4x128xi32, #tpu.memory_space<vmem>> -> memref<1x128xi32, #tpu.memory_space<vmem>>
    %dma_start3A_60 = tpu.memref_squeeze %dma_start3A_59 : memref<1x128xi32, #tpu.memory_space<vmem>> -> memref<128xi32, #tpu.memory_space<vmem>>
    %dma_start3A_61 = arith.constant 0 : i32
    %dma_start3A_62 = arith.constant 0 : i32
    %dma_start3A_63 = tpu.memref_slice %arg5[%dma_start3A_61, %dma_start3A_62] : memref<1000000x32xf32, #tpu.memory_space<hbm>> -> memref<1000000x32xf32, #tpu.memory_space<hbm>>
    tpu.enqueue_indirect_dma source(%dma_start3A_63 : memref<1000000x32xf32, #tpu.memory_space<hbm>>) target(%dma_start3A_57 : memref<128x32xf32, #tpu.memory_space<vmem>>) offsets(%dma_start3A_60 : memref<128xi32, #tpu.memory_space<vmem>>) semaphore(%arg13 : memref<!tpu.dma_semaphore, #tpu.memory_space<semaphore_mem>>)
    %dma_start3A_64 = arith.constant 3 : i32
    %dma_start3A_65 = arith.constant 384 : i32
    %dma_start3A_66 = arith.constant 0 : i32
    %dma_start3A_67 = tpu.memref_slice %arg9[%dma_start3A_65, %dma_start3A_66] : memref<512x32xf32, #tpu.memory_space<vmem>> -> memref<128x32xf32, #tpu.memory_space<vmem>>
    %dma_start3A_68 = arith.constant 0 : i32
    %dma_start3A_69 = tpu.memref_slice %arg7[%dma_start3A_64, %dma_start3A_68] : memref<4x128xi32, #tpu.memory_space<vmem>> -> memref<1x128xi32, #tpu.memory_space<vmem>>
    %dma_start3A_70 = tpu.memref_squeeze %dma_start3A_69 : memref<1x128xi32, #tpu.memory_space<vmem>> -> memref<128xi32, #tpu.memory_space<vmem>>
    %dma_start3A_71 = arith.constant 0 : i32
    %dma_start3A_72 = arith.constant 0 : i32
    %dma_start3A_73 = tpu.memref_slice %arg4[%dma_start3A_71, %dma_start3A_72] : memref<1000000x32xf32, #tpu.memory_space<hbm>> -> memref<1000000x32xf32, #tpu.memory_space<hbm>>
    tpu.enqueue_indirect_dma source(%dma_start3A_73 : memref<1000000x32xf32, #tpu.memory_space<hbm>>) target(%dma_start3A_67 : memref<128x32xf32, #tpu.memory_space<vmem>>) offsets(%dma_start3A_70 : memref<128xi32, #tpu.memory_space<vmem>>) semaphore(%arg12 : memref<!tpu.dma_semaphore, #tpu.memory_space<semaphore_mem>>)
    %dma_start3A_74 = arith.constant 3 : i32
    %dma_start3A_75 = arith.constant 384 : i32
    %dma_start3A_76 = arith.constant 0 : i32
    %dma_start3A_77 = tpu.memref_slice %arg10[%dma_start3A_75, %dma_start3A_76] : memref<512x32xf32, #tpu.memory_space<vmem>> -> memref<128x32xf32, #tpu.memory_space<vmem>>
    %dma_start3A_78 = arith.constant 0 : i32
    %dma_start3A_79 = tpu.memref_slice %arg8[%dma_start3A_74, %dma_start3A_78] : memref<4x128xi32, #tpu.memory_space<vmem>> -> memref<1x128xi32, #tpu.memory_space<vmem>>
    %dma_start3A_80 = tpu.memref_squeeze %dma_start3A_79 : memref<1x128xi32, #tpu.memory_space<vmem>> -> memref<128xi32, #tpu.memory_space<vmem>>
    %dma_start3A_81 = arith.constant 0 : i32
    %dma_start3A_82 = arith.constant 0 : i32
    %dma_start3A_83 = tpu.memref_slice %arg5[%dma_start3A_81, %dma_start3A_82] : memref<1000000x32xf32, #tpu.memory_space<hbm>> -> memref<1000000x32xf32, #tpu.memory_space<hbm>>
    tpu.enqueue_indirect_dma source(%dma_start3A_83 : memref<1000000x32xf32, #tpu.memory_space<hbm>>) target(%dma_start3A_77 : memref<128x32xf32, #tpu.memory_space<vmem>>) offsets(%dma_start3A_80 : memref<128xi32, #tpu.memory_space<vmem>>) semaphore(%arg13 : memref<!tpu.dma_semaphore, #tpu.memory_space<semaphore_mem>>)
    %dma_wait3A = arith.constant 0 : i32
    %dma_wait3A_84 = arith.constant 0 : i32
    %dma_wait3A_85 = arith.constant 0 : i32
    %dma_wait3A_86 = tpu.memref_slice %arg9[%dma_wait3A_84, %dma_wait3A_85] : memref<512x32xf32, #tpu.memory_space<vmem>> -> memref<128x32xf32, #tpu.memory_space<vmem>>
    %dma_wait3A_87 = arith.constant 0 : i32
    %dma_wait3A_88 = tpu.memref_slice %arg7[%dma_wait3A, %dma_wait3A_87] : memref<4x128xi32, #tpu.memory_space<vmem>> -> memref<1x128xi32, #tpu.memory_space<vmem>>
    %dma_wait3A_89 = tpu.memref_squeeze %dma_wait3A_88 : memref<1x128xi32, #tpu.memory_space<vmem>> -> memref<128xi32, #tpu.memory_space<vmem>>
    %dma_wait3A_90 = arith.constant 0 : i32
    %dma_wait3A_91 = arith.constant 0 : i32
    %dma_wait3A_92 = tpu.memref_slice %arg4[%dma_wait3A_90, %dma_wait3A_91] : memref<1000000x32xf32, #tpu.memory_space<hbm>> -> memref<1000000x32xf32, #tpu.memory_space<hbm>>
    tpu.wait_indirect_dma semaphore(%arg12 : memref<!tpu.dma_semaphore, #tpu.memory_space<semaphore_mem>>) src(%dma_wait3A_92 : memref<1000000x32xf32, #tpu.memory_space<hbm>>) dst(%dma_wait3A_86 : memref<128x32xf32, #tpu.memory_space<vmem>>)
    %dma_wait3A_93 = arith.constant 0 : i32
    %dma_wait3A_94 = arith.constant 0 : i32
    %dma_wait3A_95 = arith.constant 0 : i32
    %dma_wait3A_96 = tpu.memref_slice %arg10[%dma_wait3A_94, %dma_wait3A_95] : memref<512x32xf32, #tpu.memory_space<vmem>> -> memref<128x32xf32, #tpu.memory_space<vmem>>
    %dma_wait3A_97 = arith.constant 0 : i32
    %dma_wait3A_98 = tpu.memref_slice %arg8[%dma_wait3A_93, %dma_wait3A_97] : memref<4x128xi32, #tpu.memory_space<vmem>> -> memref<1x128xi32, #tpu.memory_space<vmem>>
    %dma_wait3A_99 = tpu.memref_squeeze %dma_wait3A_98 : memref<1x128xi32, #tpu.memory_space<vmem>> -> memref<128xi32, #tpu.memory_space<vmem>>
    %dma_wait3A_100 = arith.constant 0 : i32
    %dma_wait3A_101 = arith.constant 0 : i32
    %dma_wait3A_102 = tpu.memref_slice %arg5[%dma_wait3A_100, %dma_wait3A_101] : memref<1000000x32xf32, #tpu.memory_space<hbm>> -> memref<1000000x32xf32, #tpu.memory_space<hbm>>
    tpu.wait_indirect_dma semaphore(%arg13 : memref<!tpu.dma_semaphore, #tpu.memory_space<semaphore_mem>>) src(%dma_wait3A_102 : memref<1000000x32xf32, #tpu.memory_space<hbm>>) dst(%dma_wait3A_96 : memref<128x32xf32, #tpu.memory_space<vmem>>)
    %dma_wait3A_103 = arith.constant 1 : i32
    %dma_wait3A_104 = arith.constant 128 : i32
    %dma_wait3A_105 = arith.constant 0 : i32
    %dma_wait3A_106 = tpu.memref_slice %arg9[%dma_wait3A_104, %dma_wait3A_105] : memref<512x32xf32, #tpu.memory_space<vmem>> -> memref<128x32xf32, #tpu.memory_space<vmem>>
    %dma_wait3A_107 = arith.constant 0 : i32
    %dma_wait3A_108 = tpu.memref_slice %arg7[%dma_wait3A_103, %dma_wait3A_107] : memref<4x128xi32, #tpu.memory_space<vmem>> -> memref<1x128xi32, #tpu.memory_space<vmem>>
    %dma_wait3A_109 = tpu.memref_squeeze %dma_wait3A_108 : memref<1x128xi32, #tpu.memory_space<vmem>> -> memref<128xi32, #tpu.memory_space<vmem>>
    %dma_wait3A_110 = arith.constant 0 : i32
    %dma_wait3A_111 = arith.constant 0 : i32
    %dma_wait3A_112 = tpu.memref_slice %arg4[%dma_wait3A_110, %dma_wait3A_111] : memref<1000000x32xf32, #tpu.memory_space<hbm>> -> memref<1000000x32xf32, #tpu.memory_space<hbm>>
    tpu.wait_indirect_dma semaphore(%arg12 : memref<!tpu.dma_semaphore, #tpu.memory_space<semaphore_mem>>) src(%dma_wait3A_112 : memref<1000000x32xf32, #tpu.memory_space<hbm>>) dst(%dma_wait3A_106 : memref<128x32xf32, #tpu.memory_space<vmem>>)
    %dma_wait3A_113 = arith.constant 1 : i32
    %dma_wait3A_114 = arith.constant 128 : i32
    %dma_wait3A_115 = arith.constant 0 : i32
    %dma_wait3A_116 = tpu.memref_slice %arg10[%dma_wait3A_114, %dma_wait3A_115] : memref<512x32xf32, #tpu.memory_space<vmem>> -> memref<128x32xf32, #tpu.memory_space<vmem>>
    %dma_wait3A_117 = arith.constant 0 : i32
    %dma_wait3A_118 = tpu.memref_slice %arg8[%dma_wait3A_113, %dma_wait3A_117] : memref<4x128xi32, #tpu.memory_space<vmem>> -> memref<1x128xi32, #tpu.memory_space<vmem>>
    %dma_wait3A_119 = tpu.memref_squeeze %dma_wait3A_118 : memref<1x128xi32, #tpu.memory_space<vmem>> -> memref<128xi32, #tpu.memory_space<vmem>>
    %dma_wait3A_120 = arith.constant 0 : i32
    %dma_wait3A_121 = arith.constant 0 : i32
    %dma_wait3A_122 = tpu.memref_slice %arg5[%dma_wait3A_120, %dma_wait3A_121] : memref<1000000x32xf32, #tpu.memory_space<hbm>> -> memref<1000000x32xf32, #tpu.memory_space<hbm>>
    tpu.wait_indirect_dma semaphore(%arg13 : memref<!tpu.dma_semaphore, #tpu.memory_space<semaphore_mem>>) src(%dma_wait3A_122 : memref<1000000x32xf32, #tpu.memory_space<hbm>>) dst(%dma_wait3A_116 : memref<128x32xf32, #tpu.memory_space<vmem>>)
    %dma_wait3A_123 = arith.constant 2 : i32
    %dma_wait3A_124 = arith.constant 256 : i32
    %dma_wait3A_125 = arith.constant 0 : i32
    %dma_wait3A_126 = tpu.memref_slice %arg9[%dma_wait3A_124, %dma_wait3A_125] : memref<512x32xf32, #tpu.memory_space<vmem>> -> memref<128x32xf32, #tpu.memory_space<vmem>>
    %dma_wait3A_127 = arith.constant 0 : i32
    %dma_wait3A_128 = tpu.memref_slice %arg7[%dma_wait3A_123, %dma_wait3A_127] : memref<4x128xi32, #tpu.memory_space<vmem>> -> memref<1x128xi32, #tpu.memory_space<vmem>>
    %dma_wait3A_129 = tpu.memref_squeeze %dma_wait3A_128 : memref<1x128xi32, #tpu.memory_space<vmem>> -> memref<128xi32, #tpu.memory_space<vmem>>
    %dma_wait3A_130 = arith.constant 0 : i32
    %dma_wait3A_131 = arith.constant 0 : i32
    %dma_wait3A_132 = tpu.memref_slice %arg4[%dma_wait3A_130, %dma_wait3A_131] : memref<1000000x32xf32, #tpu.memory_space<hbm>> -> memref<1000000x32xf32, #tpu.memory_space<hbm>>
    tpu.wait_indirect_dma semaphore(%arg12 : memref<!tpu.dma_semaphore, #tpu.memory_space<semaphore_mem>>) src(%dma_wait3A_132 : memref<1000000x32xf32, #tpu.memory_space<hbm>>) dst(%dma_wait3A_126 : memref<128x32xf32, #tpu.memory_space<vmem>>)
    %dma_wait3A_133 = arith.constant 2 : i32
    %dma_wait3A_134 = arith.constant 256 : i32
    %dma_wait3A_135 = arith.constant 0 : i32
    %dma_wait3A_136 = tpu.memref_slice %arg10[%dma_wait3A_134, %dma_wait3A_135] : memref<512x32xf32, #tpu.memory_space<vmem>> -> memref<128x32xf32, #tpu.memory_space<vmem>>
    %dma_wait3A_137 = arith.constant 0 : i32
    %dma_wait3A_138 = tpu.memref_slice %arg8[%dma_wait3A_133, %dma_wait3A_137] : memref<4x128xi32, #tpu.memory_space<vmem>> -> memref<1x128xi32, #tpu.memory_space<vmem>>
    %dma_wait3A_139 = tpu.memref_squeeze %dma_wait3A_138 : memref<1x128xi32, #tpu.memory_space<vmem>> -> memref<128xi32, #tpu.memory_space<vmem>>
    %dma_wait3A_140 = arith.constant 0 : i32
    %dma_wait3A_141 = arith.constant 0 : i32
    %dma_wait3A_142 = tpu.memref_slice %arg5[%dma_wait3A_140, %dma_wait3A_141] : memref<1000000x32xf32, #tpu.memory_space<hbm>> -> memref<1000000x32xf32, #tpu.memory_space<hbm>>
    tpu.wait_indirect_dma semaphore(%arg13 : memref<!tpu.dma_semaphore, #tpu.memory_space<semaphore_mem>>) src(%dma_wait3A_142 : memref<1000000x32xf32, #tpu.memory_space<hbm>>) dst(%dma_wait3A_136 : memref<128x32xf32, #tpu.memory_space<vmem>>)
    %dma_wait3A_143 = arith.constant 3 : i32
    %dma_wait3A_144 = arith.constant 384 : i32
    %dma_wait3A_145 = arith.constant 0 : i32
    %dma_wait3A_146 = tpu.memref_slice %arg9[%dma_wait3A_144, %dma_wait3A_145] : memref<512x32xf32, #tpu.memory_space<vmem>> -> memref<128x32xf32, #tpu.memory_space<vmem>>
    %dma_wait3A_147 = arith.constant 0 : i32
    %dma_wait3A_148 = tpu.memref_slice %arg7[%dma_wait3A_143, %dma_wait3A_147] : memref<4x128xi32, #tpu.memory_space<vmem>> -> memref<1x128xi32, #tpu.memory_space<vmem>>
    %dma_wait3A_149 = tpu.memref_squeeze %dma_wait3A_148 : memref<1x128xi32, #tpu.memory_space<vmem>> -> memref<128xi32, #tpu.memory_space<vmem>>
    %dma_wait3A_150 = arith.constant 0 : i32
    %dma_wait3A_151 = arith.constant 0 : i32
    %dma_wait3A_152 = tpu.memref_slice %arg4[%dma_wait3A_150, %dma_wait3A_151] : memref<1000000x32xf32, #tpu.memory_space<hbm>> -> memref<1000000x32xf32, #tpu.memory_space<hbm>>
    tpu.wait_indirect_dma semaphore(%arg12 : memref<!tpu.dma_semaphore, #tpu.memory_space<semaphore_mem>>) src(%dma_wait3A_152 : memref<1000000x32xf32, #tpu.memory_space<hbm>>) dst(%dma_wait3A_146 : memref<128x32xf32, #tpu.memory_space<vmem>>)
    %dma_wait3A_153 = arith.constant 3 : i32
    %dma_wait3A_154 = arith.constant 384 : i32
    %dma_wait3A_155 = arith.constant 0 : i32
    %dma_wait3A_156 = tpu.memref_slice %arg10[%dma_wait3A_154, %dma_wait3A_155] : memref<512x32xf32, #tpu.memory_space<vmem>> -> memref<128x32xf32, #tpu.memory_space<vmem>>
    %dma_wait3A_157 = arith.constant 0 : i32
    %dma_wait3A_158 = tpu.memref_slice %arg8[%dma_wait3A_153, %dma_wait3A_157] : memref<4x128xi32, #tpu.memory_space<vmem>> -> memref<1x128xi32, #tpu.memory_space<vmem>>
    %dma_wait3A_159 = tpu.memref_squeeze %dma_wait3A_158 : memref<1x128xi32, #tpu.memory_space<vmem>> -> memref<128xi32, #tpu.memory_space<vmem>>
    %dma_wait3A_160 = arith.constant 0 : i32
    %dma_wait3A_161 = arith.constant 0 : i32
    %dma_wait3A_162 = tpu.memref_slice %arg5[%dma_wait3A_160, %dma_wait3A_161] : memref<1000000x32xf32, #tpu.memory_space<hbm>> -> memref<1000000x32xf32, #tpu.memory_space<hbm>>
    tpu.wait_indirect_dma semaphore(%arg13 : memref<!tpu.dma_semaphore, #tpu.memory_space<semaphore_mem>>) src(%dma_wait3A_162 : memref<1000000x32xf32, #tpu.memory_space<hbm>>) dst(%dma_wait3A_156 : memref<128x32xf32, #tpu.memory_space<vmem>>)
    %iota3A = tpu.iota {dimensions = array<i32: 0>} : vector<16xi32>
    %scan3A = arith.constant 0 : i32
    %scan3A_163 = arith.constant 0 : i32
    %scan3A_164 = arith.constant 32 : i32
    %scan3A_165 = arith.addi %scan3A_163, %scan3A_164 : i32
    %scan3A_166 = arith.constant 1 : i32
    scf.for %scan3A_170 = %scan3A_163 to %scan3A_165 step %scan3A_166  : i32 {
      %mul3A_171 = arith.constant 16 : i32
      %mul3A_172 = arith.muli %scan3A_170, %mul3A_171 : i32
      %broadcast_in_dim3A = arith.constant 0.000000e+00 : f32
      %broadcast_in_dim3A_173 = vector.broadcast %broadcast_in_dim3A : f32 to vector<16xf32>
      %add3A_174 = arith.constant 0 : i32
      %add3A_175 = arith.addi %mul3A_172, %add3A_174 : i32
      %get3A = arith.index_cast %add3A_175 : i32 to index
      %get3A_176 = arith.constant 0 : index
      %get3A_177 = tpu.vector_load %arg9[%get3A, %get3A_176] {strides = array<i32>} : memref<512x32xf32, #tpu.memory_space<vmem>>, vector<16xf32>,
      %get3A_178 = arith.index_cast %add3A_175 : i32 to index
      %get3A_179 = arith.constant 16 : index
      %get3A_180 = tpu.vector_load %arg9[%get3A_178, %get3A_179] {strides = array<i32>} : memref<512x32xf32, #tpu.memory_space<vmem>>, vector<16xf32>,
      %get3A_181 = arith.index_cast %add3A_175 : i32 to index
      %get3A_182 = arith.constant 0 : index
      %get3A_183 = tpu.vector_load %arg10[%get3A_181, %get3A_182] {strides = array<i32>} : memref<512x32xf32, #tpu.memory_space<vmem>>, vector<16xf32>,
      %get3A_184 = arith.index_cast %add3A_175 : i32 to index
      %get3A_185 = arith.constant 16 : index
      %get3A_186 = tpu.vector_load %arg10[%get3A_184, %get3A_185] {strides = array<i32>} : memref<512x32xf32, #tpu.memory_space<vmem>>, vector<16xf32>,
      %mul3A_187 = arith.mulf %get3A_177, %get3A_183 : vector<16xf32>
      %mul3A_188 = arith.mulf %get3A_180, %get3A_186 : vector<16xf32>
      %add3A_189 = arith.addf %mul3A_187, %mul3A_188 : vector<16xf32>
      %reduce_sum3A = arith.constant true
      %reduce_sum3A_190 = vector.broadcast %reduce_sum3A : i1 to vector<16xi1>
      %reduce_sum3A_191 = tpu.scan <sum>, %add3A_189 masked %reduce_sum3A_190 : vector<16xf32>, vector<16xi1> -> vector<16xf32>
      %reduce_sum3A_192 = vector.extract %reduce_sum3A_191[15] : f32 from vector<16xf32>
      %eq3A = arith.constant 0 : i32
      %eq3A_193 = vector.broadcast %eq3A : i32 to vector<16xi32>
      %eq3A_194 = arith.cmpi eq, %iota3A, %eq3A_193 : vector<16xi32>
      %broadcast_in_dim3A_195 = vector.broadcast %reduce_sum3A_192 : f32 to vector<16xf32>
      %select_n3A = arith.select %eq3A_194, %broadcast_in_dim3A_195, %broadcast_in_dim3A_173 : vector<16xi1>, vector<16xf32>
      %add3A_196 = arith.constant 1 : i32
      %add3A_197 = arith.addi %mul3A_172, %add3A_196 : i32
      %get3A_198 = arith.index_cast %add3A_197 : i32 to index
      %get3A_199 = arith.constant 0 : index
      %get3A_200 = tpu.vector_load %arg9[%get3A_198, %get3A_199] {strides = array<i32>} : memref<512x32xf32, #tpu.memory_space<vmem>>, vector<16xf32>,
      %get3A_201 = arith.index_cast %add3A_197 : i32 to index
      %get3A_202 = arith.constant 16 : index
      %get3A_203 = tpu.vector_load %arg9[%get3A_201, %get3A_202] {strides = array<i32>} : memref<512x32xf32, #tpu.memory_space<vmem>>, vector<16xf32>,
      %get3A_204 = arith.index_cast %add3A_197 : i32 to index
      %get3A_205 = arith.constant 0 : index
      %get3A_206 = tpu.vector_load %arg10[%get3A_204, %get3A_205] {strides = array<i32>} : memref<512x32xf32, #tpu.memory_space<vmem>>, vector<16xf32>,
      %get3A_207 = arith.index_cast %add3A_197 : i32 to index
      %get3A_208 = arith.constant 16 : index
      %get3A_209 = tpu.vector_load %arg10[%get3A_207, %get3A_208] {strides = array<i32>} : memref<512x32xf32, #tpu.memory_space<vmem>>, vector<16xf32>,
      %mul3A_210 = arith.mulf %get3A_200, %get3A_206 : vector<16xf32>
      %mul3A_211 = arith.mulf %get3A_203, %get3A_209 : vector<16xf32>
      %add3A_212 = arith.addf %mul3A_210, %mul3A_211 : vector<16xf32>
      %reduce_sum3A_213 = arith.constant true
      %reduce_sum3A_214 = vector.broadcast %reduce_sum3A_213 : i1 to vector<16xi1>
      %reduce_sum3A_215 = tpu.scan <sum>, %add3A_212 masked %reduce_sum3A_214 : vector<16xf32>, vector<16xi1> -> vector<16xf32>
      %reduce_sum3A_216 = vector.extract %reduce_sum3A_215[15] : f32 from vector<16xf32>
      %eq3A_217 = arith.constant 1 : i32
      %eq3A_218 = vector.broadcast %eq3A_217 : i32 to vector<16xi32>
      %eq3A_219 = arith.cmpi eq, %iota3A, %eq3A_218 : vector<16xi32>
      %broadcast_in_dim3A_220 = vector.broadcast %reduce_sum3A_216 : f32 to vector<16xf32>
      %select_n3A_221 = arith.select %eq3A_219, %broadcast_in_dim3A_220, %select_n3A : vector<16xi1>, vector<16xf32>
      %add3A_222 = arith.constant 2 : i32
      %add3A_223 = arith.addi %mul3A_172, %add3A_222 : i32
      %get3A_224 = arith.index_cast %add3A_223 : i32 to index
      %get3A_225 = arith.constant 0 : index
      %get3A_226 = tpu.vector_load %arg9[%get3A_224, %get3A_225] {strides = array<i32>} : memref<512x32xf32, #tpu.memory_space<vmem>>, vector<16xf32>,
      %get3A_227 = arith.index_cast %add3A_223 : i32 to index
      %get3A_228 = arith.constant 16 : index
      %get3A_229 = tpu.vector_load %arg9[%get3A_227, %get3A_228] {strides = array<i32>} : memref<512x32xf32, #tpu.memory_space<vmem>>, vector<16xf32>,
      %get3A_230 = arith.index_cast %add3A_223 : i32 to index
      %get3A_231 = arith.constant 0 : index
      %get3A_232 = tpu.vector_load %arg10[%get3A_230, %get3A_231] {strides = array<i32>} : memref<512x32xf32, #tpu.memory_space<vmem>>, vector<16xf32>,
      %get3A_233 = arith.index_cast %add3A_223 : i32 to index
      %get3A_234 = arith.constant 16 : index
      %get3A_235 = tpu.vector_load %arg10[%get3A_233, %get3A_234] {strides = array<i32>} : memref<512x32xf32, #tpu.memory_space<vmem>>, vector<16xf32>,
      %mul3A_236 = arith.mulf %get3A_226, %get3A_232 : vector<16xf32>
      %mul3A_237 = arith.mulf %get3A_229, %get3A_235 : vector<16xf32>
      %add3A_238 = arith.addf %mul3A_236, %mul3A_237 : vector<16xf32>
      %reduce_sum3A_239 = arith.constant true
      %reduce_sum3A_240 = vector.broadcast %reduce_sum3A_239 : i1 to vector<16xi1>
      %reduce_sum3A_241 = tpu.scan <sum>, %add3A_238 masked %reduce_sum3A_240 : vector<16xf32>, vector<16xi1> -> vector<16xf32>
      %reduce_sum3A_242 = vector.extract %reduce_sum3A_241[15] : f32 from vector<16xf32>
      %eq3A_243 = arith.constant 2 : i32
      %eq3A_244 = vector.broadcast %eq3A_243 : i32 to vector<16xi32>
      %eq3A_245 = arith.cmpi eq, %iota3A, %eq3A_244 : vector<16xi32>
      %broadcast_in_dim3A_246 = vector.broadcast %reduce_sum3A_242 : f32 to vector<16xf32>
      %select_n3A_247 = arith.select %eq3A_245, %broadcast_in_dim3A_246, %select_n3A_221 : vector<16xi1>, vector<16xf32>
      %add3A_248 = arith.constant 3 : i32
      %add3A_249 = arith.addi %mul3A_172, %add3A_248 : i32
      %get3A_250 = arith.index_cast %add3A_249 : i32 to index
      %get3A_251 = arith.constant 0 : index
      %get3A_252 = tpu.vector_load %arg9[%get3A_250, %get3A_251] {strides = array<i32>} : memref<512x32xf32, #tpu.memory_space<vmem>>, vector<16xf32>,
      %get3A_253 = arith.index_cast %add3A_249 : i32 to index
      %get3A_254 = arith.constant 16 : index
      %get3A_255 = tpu.vector_load %arg9[%get3A_253, %get3A_254] {strides = array<i32>} : memref<512x32xf32, #tpu.memory_space<vmem>>, vector<16xf32>,
      %get3A_256 = arith.index_cast %add3A_249 : i32 to index
      %get3A_257 = arith.constant 0 : index
      %get3A_258 = tpu.vector_load %arg10[%get3A_256, %get3A_257] {strides = array<i32>} : memref<512x32xf32, #tpu.memory_space<vmem>>, vector<16xf32>,
      %get3A_259 = arith.index_cast %add3A_249 : i32 to index
      %get3A_260 = arith.constant 16 : index
      %get3A_261 = tpu.vector_load %arg10[%get3A_259, %get3A_260] {strides = array<i32>} : memref<512x32xf32, #tpu.memory_space<vmem>>, vector<16xf32>,
      %mul3A_262 = arith.mulf %get3A_252, %get3A_258 : vector<16xf32>
      %mul3A_263 = arith.mulf %get3A_255, %get3A_261 : vector<16xf32>
      %add3A_264 = arith.addf %mul3A_262, %mul3A_263 : vector<16xf32>
      %reduce_sum3A_265 = arith.constant true
      %reduce_sum3A_266 = vector.broadcast %reduce_sum3A_265 : i1 to vector<16xi1>
      %reduce_sum3A_267 = tpu.scan <sum>, %add3A_264 masked %reduce_sum3A_266 : vector<16xf32>, vector<16xi1> -> vector<16xf32>
      %reduce_sum3A_268 = vector.extract %reduce_sum3A_267[15] : f32 from vector<16xf32>
      %eq3A_269 = arith.constant 3 : i32
      %eq3A_270 = vector.broadcast %eq3A_269 : i32 to vector<16xi32>
      %eq3A_271 = arith.cmpi eq, %iota3A, %eq3A_270 : vector<16xi32>
      %broadcast_in_dim3A_272 = vector.broadcast %reduce_sum3A_268 : f32 to vector<16xf32>
      %select_n3A_273 = arith.select %eq3A_271, %broadcast_in_dim3A_272, %select_n3A_247 : vector<16xi1>, vector<16xf32>
      %add3A_274 = arith.constant 4 : i32
      %add3A_275 = arith.addi %mul3A_172, %add3A_274 : i32
      %get3A_276 = arith.index_cast %add3A_275 : i32 to index
      %get3A_277 = arith.constant 0 : index
      %get3A_278 = tpu.vector_load %arg9[%get3A_276, %get3A_277] {strides = array<i32>} : memref<512x32xf32, #tpu.memory_space<vmem>>, vector<16xf32>,
      %get3A_279 = arith.index_cast %add3A_275 : i32 to index
      %get3A_280 = arith.constant 16 : index
      %get3A_281 = tpu.vector_load %arg9[%get3A_279, %get3A_280] {strides = array<i32>} : memref<512x32xf32, #tpu.memory_space<vmem>>, vector<16xf32>,
      %get3A_282 = arith.index_cast %add3A_275 : i32 to index
      %get3A_283 = arith.constant 0 : index
      %get3A_284 = tpu.vector_load %arg10[%get3A_282, %get3A_283] {strides = array<i32>} : memref<512x32xf32, #tpu.memory_space<vmem>>, vector<16xf32>,
      %get3A_285 = arith.index_cast %add3A_275 : i32 to index
      %get3A_286 = arith.constant 16 : index
      %get3A_287 = tpu.vector_load %arg10[%get3A_285, %get3A_286] {strides = array<i32>} : memref<512x32xf32, #tpu.memory_space<vmem>>, vector<16xf32>,
      %mul3A_288 = arith.mulf %get3A_278, %get3A_284 : vector<16xf32>
      %mul3A_289 = arith.mulf %get3A_281, %get3A_287 : vector<16xf32>
      %add3A_290 = arith.addf %mul3A_288, %mul3A_289 : vector<16xf32>
      %reduce_sum3A_291 = arith.constant true
      %reduce_sum3A_292 = vector.broadcast %reduce_sum3A_291 : i1 to vector<16xi1>
      %reduce_sum3A_293 = tpu.scan <sum>, %add3A_290 masked %reduce_sum3A_292 : vector<16xf32>, vector<16xi1> -> vector<16xf32>
      %reduce_sum3A_294 = vector.extract %reduce_sum3A_293[15] : f32 from vector<16xf32>
      %eq3A_295 = arith.constant 4 : i32
      %eq3A_296 = vector.broadcast %eq3A_295 : i32 to vector<16xi32>
      %eq3A_297 = arith.cmpi eq, %iota3A, %eq3A_296 : vector<16xi32>
      %broadcast_in_dim3A_298 = vector.broadcast %reduce_sum3A_294 : f32 to vector<16xf32>
      %select_n3A_299 = arith.select %eq3A_297, %broadcast_in_dim3A_298, %select_n3A_273 : vector<16xi1>, vector<16xf32>
      %add3A_300 = arith.constant 5 : i32
      %add3A_301 = arith.addi %mul3A_172, %add3A_300 : i32
      %get3A_302 = arith.index_cast %add3A_301 : i32 to index
      %get3A_303 = arith.constant 0 : index
      %get3A_304 = tpu.vector_load %arg9[%get3A_302, %get3A_303] {strides = array<i32>} : memref<512x32xf32, #tpu.memory_space<vmem>>, vector<16xf32>,
      %get3A_305 = arith.index_cast %add3A_301 : i32 to index
      %get3A_306 = arith.constant 16 : index
      %get3A_307 = tpu.vector_load %arg9[%get3A_305, %get3A_306] {strides = array<i32>} : memref<512x32xf32, #tpu.memory_space<vmem>>, vector<16xf32>,
      %get3A_308 = arith.index_cast %add3A_301 : i32 to index
      %get3A_309 = arith.constant 0 : index
      %get3A_310 = tpu.vector_load %arg10[%get3A_308, %get3A_309] {strides = array<i32>} : memref<512x32xf32, #tpu.memory_space<vmem>>, vector<16xf32>,
      %get3A_311 = arith.index_cast %add3A_301 : i32 to index
      %get3A_312 = arith.constant 16 : index
      %get3A_313 = tpu.vector_load %arg10[%get3A_311, %get3A_312] {strides = array<i32>} : memref<512x32xf32, #tpu.memory_space<vmem>>, vector<16xf32>,
      %mul3A_314 = arith.mulf %get3A_304, %get3A_310 : vector<16xf32>
      %mul3A_315 = arith.mulf %get3A_307, %get3A_313 : vector<16xf32>
      %add3A_316 = arith.addf %mul3A_314, %mul3A_315 : vector<16xf32>
      %reduce_sum3A_317 = arith.constant true
      %reduce_sum3A_318 = vector.broadcast %reduce_sum3A_317 : i1 to vector<16xi1>
      %reduce_sum3A_319 = tpu.scan <sum>, %add3A_316 masked %reduce_sum3A_318 : vector<16xf32>, vector<16xi1> -> vector<16xf32>
      %reduce_sum3A_320 = vector.extract %reduce_sum3A_319[15] : f32 from vector<16xf32>
      %eq3A_321 = arith.constant 5 : i32
      %eq3A_322 = vector.broadcast %eq3A_321 : i32 to vector<16xi32>
      %eq3A_323 = arith.cmpi eq, %iota3A, %eq3A_322 : vector<16xi32>
      %broadcast_in_dim3A_324 = vector.broadcast %reduce_sum3A_320 : f32 to vector<16xf32>
      %select_n3A_325 = arith.select %eq3A_323, %broadcast_in_dim3A_324, %select_n3A_299 : vector<16xi1>, vector<16xf32>
      %add3A_326 = arith.constant 6 : i32
      %add3A_327 = arith.addi %mul3A_172, %add3A_326 : i32
      %get3A_328 = arith.index_cast %add3A_327 : i32 to index
      %get3A_329 = arith.constant 0 : index
      %get3A_330 = tpu.vector_load %arg9[%get3A_328, %get3A_329] {strides = array<i32>} : memref<512x32xf32, #tpu.memory_space<vmem>>, vector<16xf32>,
      %get3A_331 = arith.index_cast %add3A_327 : i32 to index
      %get3A_332 = arith.constant 16 : index
      %get3A_333 = tpu.vector_load %arg9[%get3A_331, %get3A_332] {strides = array<i32>} : memref<512x32xf32, #tpu.memory_space<vmem>>, vector<16xf32>,
      %get3A_334 = arith.index_cast %add3A_327 : i32 to index
      %get3A_335 = arith.constant 0 : index
      %get3A_336 = tpu.vector_load %arg10[%get3A_334, %get3A_335] {strides = array<i32>} : memref<512x32xf32, #tpu.memory_space<vmem>>, vector<16xf32>,
      %get3A_337 = arith.index_cast %add3A_327 : i32 to index
      %get3A_338 = arith.constant 16 : index
      %get3A_339 = tpu.vector_load %arg10[%get3A_337, %get3A_338] {strides = array<i32>} : memref<512x32xf32, #tpu.memory_space<vmem>>, vector<16xf32>,
      %mul3A_340 = arith.mulf %get3A_330, %get3A_336 : vector<16xf32>
      %mul3A_341 = arith.mulf %get3A_333, %get3A_339 : vector<16xf32>
      %add3A_342 = arith.addf %mul3A_340, %mul3A_341 : vector<16xf32>
      %reduce_sum3A_343 = arith.constant true
      %reduce_sum3A_344 = vector.broadcast %reduce_sum3A_343 : i1 to vector<16xi1>
      %reduce_sum3A_345 = tpu.scan <sum>, %add3A_342 masked %reduce_sum3A_344 : vector<16xf32>, vector<16xi1> -> vector<16xf32>
      %reduce_sum3A_346 = vector.extract %reduce_sum3A_345[15] : f32 from vector<16xf32>
      %eq3A_347 = arith.constant 6 : i32
      %eq3A_348 = vector.broadcast %eq3A_347 : i32 to vector<16xi32>
      %eq3A_349 = arith.cmpi eq, %iota3A, %eq3A_348 : vector<16xi32>
      %broadcast_in_dim3A_350 = vector.broadcast %reduce_sum3A_346 : f32 to vector<16xf32>
      %select_n3A_351 = arith.select %eq3A_349, %broadcast_in_dim3A_350, %select_n3A_325 : vector<16xi1>, vector<16xf32>
      %add3A_352 = arith.constant 7 : i32
      %add3A_353 = arith.addi %mul3A_172, %add3A_352 : i32
      %get3A_354 = arith.index_cast %add3A_353 : i32 to index
      %get3A_355 = arith.constant 0 : index
      %get3A_356 = tpu.vector_load %arg9[%get3A_354, %get3A_355] {strides = array<i32>} : memref<512x32xf32, #tpu.memory_space<vmem>>, vector<16xf32>,
      %get3A_357 = arith.index_cast %add3A_353 : i32 to index
      %get3A_358 = arith.constant 16 : index
      %get3A_359 = tpu.vector_load %arg9[%get3A_357, %get3A_358] {strides = array<i32>} : memref<512x32xf32, #tpu.memory_space<vmem>>, vector<16xf32>,
      %get3A_360 = arith.index_cast %add3A_353 : i32 to index
      %get3A_361 = arith.constant 0 : index
      %get3A_362 = tpu.vector_load %arg10[%get3A_360, %get3A_361] {strides = array<i32>} : memref<512x32xf32, #tpu.memory_space<vmem>>, vector<16xf32>,
      %get3A_363 = arith.index_cast %add3A_353 : i32 to index
      %get3A_364 = arith.constant 16 : index
      %get3A_365 = tpu.vector_load %arg10[%get3A_363, %get3A_364] {strides = array<i32>} : memref<512x32xf32, #tpu.memory_space<vmem>>, vector<16xf32>,
      %mul3A_366 = arith.mulf %get3A_356, %get3A_362 : vector<16xf32>
      %mul3A_367 = arith.mulf %get3A_359, %get3A_365 : vector<16xf32>
      %add3A_368 = arith.addf %mul3A_366, %mul3A_367 : vector<16xf32>
      %reduce_sum3A_369 = arith.constant true
      %reduce_sum3A_370 = vector.broadcast %reduce_sum3A_369 : i1 to vector<16xi1>
      %reduce_sum3A_371 = tpu.scan <sum>, %add3A_368 masked %reduce_sum3A_370 : vector<16xf32>, vector<16xi1> -> vector<16xf32>
      %reduce_sum3A_372 = vector.extract %reduce_sum3A_371[15] : f32 from vector<16xf32>
      %eq3A_373 = arith.constant 7 : i32
      %eq3A_374 = vector.broadcast %eq3A_373 : i32 to vector<16xi32>
      %eq3A_375 = arith.cmpi eq, %iota3A, %eq3A_374 : vector<16xi32>
      %broadcast_in_dim3A_376 = vector.broadcast %reduce_sum3A_372 : f32 to vector<16xf32>
      %select_n3A_377 = arith.select %eq3A_375, %broadcast_in_dim3A_376, %select_n3A_351 : vector<16xi1>, vector<16xf32>
      %add3A_378 = arith.constant 8 : i32
      %add3A_379 = arith.addi %mul3A_172, %add3A_378 : i32
      %get3A_380 = arith.index_cast %add3A_379 : i32 to index
      %get3A_381 = arith.constant 0 : index
      %get3A_382 = tpu.vector_load %arg9[%get3A_380, %get3A_381] {strides = array<i32>} : memref<512x32xf32, #tpu.memory_space<vmem>>, vector<16xf32>,
      %get3A_383 = arith.index_cast %add3A_379 : i32 to index
      %get3A_384 = arith.constant 16 : index
      %get3A_385 = tpu.vector_load %arg9[%get3A_383, %get3A_384] {strides = array<i32>} : memref<512x32xf32, #tpu.memory_space<vmem>>, vector<16xf32>,
      %get3A_386 = arith.index_cast %add3A_379 : i32 to index
      %get3A_387 = arith.constant 0 : index
      %get3A_388 = tpu.vector_load %arg10[%get3A_386, %get3A_387] {strides = array<i32>} : memref<512x32xf32, #tpu.memory_space<vmem>>, vector<16xf32>,
      %get3A_389 = arith.index_cast %add3A_379 : i32 to index
      %get3A_390 = arith.constant 16 : index
      %get3A_391 = tpu.vector_load %arg10[%get3A_389, %get3A_390] {strides = array<i32>} : memref<512x32xf32, #tpu.memory_space<vmem>>, vector<16xf32>,
      %mul3A_392 = arith.mulf %get3A_382, %get3A_388 : vector<16xf32>
      %mul3A_393 = arith.mulf %get3A_385, %get3A_391 : vector<16xf32>
      %add3A_394 = arith.addf %mul3A_392, %mul3A_393 : vector<16xf32>
      %reduce_sum3A_395 = arith.constant true
      %reduce_sum3A_396 = vector.broadcast %reduce_sum3A_395 : i1 to vector<16xi1>
      %reduce_sum3A_397 = tpu.scan <sum>, %add3A_394 masked %reduce_sum3A_396 : vector<16xf32>, vector<16xi1> -> vector<16xf32>
      %reduce_sum3A_398 = vector.extract %reduce_sum3A_397[15] : f32 from vector<16xf32>
      %eq3A_399 = arith.constant 8 : i32
      %eq3A_400 = vector.broadcast %eq3A_399 : i32 to vector<16xi32>
      %eq3A_401 = arith.cmpi eq, %iota3A, %eq3A_400 : vector<16xi32>
      %broadcast_in_dim3A_402 = vector.broadcast %reduce_sum3A_398 : f32 to vector<16xf32>
      %select_n3A_403 = arith.select %eq3A_401, %broadcast_in_dim3A_402, %select_n3A_377 : vector<16xi1>, vector<16xf32>
      %add3A_404 = arith.constant 9 : i32
      %add3A_405 = arith.addi %mul3A_172, %add3A_404 : i32
      %get3A_406 = arith.index_cast %add3A_405 : i32 to index
      %get3A_407 = arith.constant 0 : index
      %get3A_408 = tpu.vector_load %arg9[%get3A_406, %get3A_407] {strides = array<i32>} : memref<512x32xf32, #tpu.memory_space<vmem>>, vector<16xf32>,
      %get3A_409 = arith.index_cast %add3A_405 : i32 to index
      %get3A_410 = arith.constant 16 : index
      %get3A_411 = tpu.vector_load %arg9[%get3A_409, %get3A_410] {strides = array<i32>} : memref<512x32xf32, #tpu.memory_space<vmem>>, vector<16xf32>,
      %get3A_412 = arith.index_cast %add3A_405 : i32 to index
      %get3A_413 = arith.constant 0 : index
      %get3A_414 = tpu.vector_load %arg10[%get3A_412, %get3A_413] {strides = array<i32>} : memref<512x32xf32, #tpu.memory_space<vmem>>, vector<16xf32>,
      %get3A_415 = arith.index_cast %add3A_405 : i32 to index
      %get3A_416 = arith.constant 16 : index
      %get3A_417 = tpu.vector_load %arg10[%get3A_415, %get3A_416] {strides = array<i32>} : memref<512x32xf32, #tpu.memory_space<vmem>>, vector<16xf32>,
      %mul3A_418 = arith.mulf %get3A_408, %get3A_414 : vector<16xf32>
      %mul3A_419 = arith.mulf %get3A_411, %get3A_417 : vector<16xf32>
      %add3A_420 = arith.addf %mul3A_418, %mul3A_419 : vector<16xf32>
      %reduce_sum3A_421 = arith.constant true
      %reduce_sum3A_422 = vector.broadcast %reduce_sum3A_421 : i1 to vector<16xi1>
      %reduce_sum3A_423 = tpu.scan <sum>, %add3A_420 masked %reduce_sum3A_422 : vector<16xf32>, vector<16xi1> -> vector<16xf32>
      %reduce_sum3A_424 = vector.extract %reduce_sum3A_423[15] : f32 from vector<16xf32>
      %eq3A_425 = arith.constant 9 : i32
      %eq3A_426 = vector.broadcast %eq3A_425 : i32 to vector<16xi32>
      %eq3A_427 = arith.cmpi eq, %iota3A, %eq3A_426 : vector<16xi32>
      %broadcast_in_dim3A_428 = vector.broadcast %reduce_sum3A_424 : f32 to vector<16xf32>
      %select_n3A_429 = arith.select %eq3A_427, %broadcast_in_dim3A_428, %select_n3A_403 : vector<16xi1>, vector<16xf32>
      %add3A_430 = arith.constant 10 : i32
      %add3A_431 = arith.addi %mul3A_172, %add3A_430 : i32
      %get3A_432 = arith.index_cast %add3A_431 : i32 to index
      %get3A_433 = arith.constant 0 : index
      %get3A_434 = tpu.vector_load %arg9[%get3A_432, %get3A_433] {strides = array<i32>} : memref<512x32xf32, #tpu.memory_space<vmem>>, vector<16xf32>,
      %get3A_435 = arith.index_cast %add3A_431 : i32 to index
      %get3A_436 = arith.constant 16 : index
      %get3A_437 = tpu.vector_load %arg9[%get3A_435, %get3A_436] {strides = array<i32>} : memref<512x32xf32, #tpu.memory_space<vmem>>, vector<16xf32>,
      %get3A_438 = arith.index_cast %add3A_431 : i32 to index
      %get3A_439 = arith.constant 0 : index
      %get3A_440 = tpu.vector_load %arg10[%get3A_438, %get3A_439] {strides = array<i32>} : memref<512x32xf32, #tpu.memory_space<vmem>>, vector<16xf32>,
      %get3A_441 = arith.index_cast %add3A_431 : i32 to index
      %get3A_442 = arith.constant 16 : index
      %get3A_443 = tpu.vector_load %arg10[%get3A_441, %get3A_442] {strides = array<i32>} : memref<512x32xf32, #tpu.memory_space<vmem>>, vector<16xf32>,
      %mul3A_444 = arith.mulf %get3A_434, %get3A_440 : vector<16xf32>
      %mul3A_445 = arith.mulf %get3A_437, %get3A_443 : vector<16xf32>
      %add3A_446 = arith.addf %mul3A_444, %mul3A_445 : vector<16xf32>
      %reduce_sum3A_447 = arith.constant true
      %reduce_sum3A_448 = vector.broadcast %reduce_sum3A_447 : i1 to vector<16xi1>
      %reduce_sum3A_449 = tpu.scan <sum>, %add3A_446 masked %reduce_sum3A_448 : vector<16xf32>, vector<16xi1> -> vector<16xf32>
      %reduce_sum3A_450 = vector.extract %reduce_sum3A_449[15] : f32 from vector<16xf32>
      %eq3A_451 = arith.constant 10 : i32
      %eq3A_452 = vector.broadcast %eq3A_451 : i32 to vector<16xi32>
      %eq3A_453 = arith.cmpi eq, %iota3A, %eq3A_452 : vector<16xi32>
      %broadcast_in_dim3A_454 = vector.broadcast %reduce_sum3A_450 : f32 to vector<16xf32>
      %select_n3A_455 = arith.select %eq3A_453, %broadcast_in_dim3A_454, %select_n3A_429 : vector<16xi1>, vector<16xf32>
      %add3A_456 = arith.constant 11 : i32
      %add3A_457 = arith.addi %mul3A_172, %add3A_456 : i32
      %get3A_458 = arith.index_cast %add3A_457 : i32 to index
      %get3A_459 = arith.constant 0 : index
      %get3A_460 = tpu.vector_load %arg9[%get3A_458, %get3A_459] {strides = array<i32>} : memref<512x32xf32, #tpu.memory_space<vmem>>, vector<16xf32>,
      %get3A_461 = arith.index_cast %add3A_457 : i32 to index
      %get3A_462 = arith.constant 16 : index
      %get3A_463 = tpu.vector_load %arg9[%get3A_461, %get3A_462] {strides = array<i32>} : memref<512x32xf32, #tpu.memory_space<vmem>>, vector<16xf32>,
      %get3A_464 = arith.index_cast %add3A_457 : i32 to index
      %get3A_465 = arith.constant 0 : index
      %get3A_466 = tpu.vector_load %arg10[%get3A_464, %get3A_465] {strides = array<i32>} : memref<512x32xf32, #tpu.memory_space<vmem>>, vector<16xf32>,
      %get3A_467 = arith.index_cast %add3A_457 : i32 to index
      %get3A_468 = arith.constant 16 : index
      %get3A_469 = tpu.vector_load %arg10[%get3A_467, %get3A_468] {strides = array<i32>} : memref<512x32xf32, #tpu.memory_space<vmem>>, vector<16xf32>,
      %mul3A_470 = arith.mulf %get3A_460, %get3A_466 : vector<16xf32>
      %mul3A_471 = arith.mulf %get3A_463, %get3A_469 : vector<16xf32>
      %add3A_472 = arith.addf %mul3A_470, %mul3A_471 : vector<16xf32>
      %reduce_sum3A_473 = arith.constant true
      %reduce_sum3A_474 = vector.broadcast %reduce_sum3A_473 : i1 to vector<16xi1>
      %reduce_sum3A_475 = tpu.scan <sum>, %add3A_472 masked %reduce_sum3A_474 : vector<16xf32>, vector<16xi1> -> vector<16xf32>
      %reduce_sum3A_476 = vector.extract %reduce_sum3A_475[15] : f32 from vector<16xf32>
      %eq3A_477 = arith.constant 11 : i32
      %eq3A_478 = vector.broadcast %eq3A_477 : i32 to vector<16xi32>
      %eq3A_479 = arith.cmpi eq, %iota3A, %eq3A_478 : vector<16xi32>
      %broadcast_in_dim3A_480 = vector.broadcast %reduce_sum3A_476 : f32 to vector<16xf32>
      %select_n3A_481 = arith.select %eq3A_479, %broadcast_in_dim3A_480, %select_n3A_455 : vector<16xi1>, vector<16xf32>
      %add3A_482 = arith.constant 12 : i32
      %add3A_483 = arith.addi %mul3A_172, %add3A_482 : i32
      %get3A_484 = arith.index_cast %add3A_483 : i32 to index
      %get3A_485 = arith.constant 0 : index
      %get3A_486 = tpu.vector_load %arg9[%get3A_484, %get3A_485] {strides = array<i32>} : memref<512x32xf32, #tpu.memory_space<vmem>>, vector<16xf32>,
      %get3A_487 = arith.index_cast %add3A_483 : i32 to index
      %get3A_488 = arith.constant 16 : index
      %get3A_489 = tpu.vector_load %arg9[%get3A_487, %get3A_488] {strides = array<i32>} : memref<512x32xf32, #tpu.memory_space<vmem>>, vector<16xf32>,
      %get3A_490 = arith.index_cast %add3A_483 : i32 to index
      %get3A_491 = arith.constant 0 : index
      %get3A_492 = tpu.vector_load %arg10[%get3A_490, %get3A_491] {strides = array<i32>} : memref<512x32xf32, #tpu.memory_space<vmem>>, vector<16xf32>,
      %get3A_493 = arith.index_cast %add3A_483 : i32 to index
      %get3A_494 = arith.constant 16 : index
      %get3A_495 = tpu.vector_load %arg10[%get3A_493, %get3A_494] {strides = array<i32>} : memref<512x32xf32, #tpu.memory_space<vmem>>, vector<16xf32>,
      %mul3A_496 = arith.mulf %get3A_486, %get3A_492 : vector<16xf32>
      %mul3A_497 = arith.mulf %get3A_489, %get3A_495 : vector<16xf32>
      %add3A_498 = arith.addf %mul3A_496, %mul3A_497 : vector<16xf32>
      %reduce_sum3A_499 = arith.constant true
      %reduce_sum3A_500 = vector.broadcast %reduce_sum3A_499 : i1 to vector<16xi1>
      %reduce_sum3A_501 = tpu.scan <sum>, %add3A_498 masked %reduce_sum3A_500 : vector<16xf32>, vector<16xi1> -> vector<16xf32>
      %reduce_sum3A_502 = vector.extract %reduce_sum3A_501[15] : f32 from vector<16xf32>
      %eq3A_503 = arith.constant 12 : i32
      %eq3A_504 = vector.broadcast %eq3A_503 : i32 to vector<16xi32>
      %eq3A_505 = arith.cmpi eq, %iota3A, %eq3A_504 : vector<16xi32>
      %broadcast_in_dim3A_506 = vector.broadcast %reduce_sum3A_502 : f32 to vector<16xf32>
      %select_n3A_507 = arith.select %eq3A_505, %broadcast_in_dim3A_506, %select_n3A_481 : vector<16xi1>, vector<16xf32>
      %add3A_508 = arith.constant 13 : i32
      %add3A_509 = arith.addi %mul3A_172, %add3A_508 : i32
      %get3A_510 = arith.index_cast %add3A_509 : i32 to index
      %get3A_511 = arith.constant 0 : index
      %get3A_512 = tpu.vector_load %arg9[%get3A_510, %get3A_511] {strides = array<i32>} : memref<512x32xf32, #tpu.memory_space<vmem>>, vector<16xf32>,
      %get3A_513 = arith.index_cast %add3A_509 : i32 to index
      %get3A_514 = arith.constant 16 : index
      %get3A_515 = tpu.vector_load %arg9[%get3A_513, %get3A_514] {strides = array<i32>} : memref<512x32xf32, #tpu.memory_space<vmem>>, vector<16xf32>,
      %get3A_516 = arith.index_cast %add3A_509 : i32 to index
      %get3A_517 = arith.constant 0 : index
      %get3A_518 = tpu.vector_load %arg10[%get3A_516, %get3A_517] {strides = array<i32>} : memref<512x32xf32, #tpu.memory_space<vmem>>, vector<16xf32>,
      %get3A_519 = arith.index_cast %add3A_509 : i32 to index
      %get3A_520 = arith.constant 16 : index
      %get3A_521 = tpu.vector_load %arg10[%get3A_519, %get3A_520] {strides = array<i32>} : memref<512x32xf32, #tpu.memory_space<vmem>>, vector<16xf32>,
      %mul3A_522 = arith.mulf %get3A_512, %get3A_518 : vector<16xf32>
      %mul3A_523 = arith.mulf %get3A_515, %get3A_521 : vector<16xf32>
      %add3A_524 = arith.addf %mul3A_522, %mul3A_523 : vector<16xf32>
      %reduce_sum3A_525 = arith.constant true
      %reduce_sum3A_526 = vector.broadcast %reduce_sum3A_525 : i1 to vector<16xi1>
      %reduce_sum3A_527 = tpu.scan <sum>, %add3A_524 masked %reduce_sum3A_526 : vector<16xf32>, vector<16xi1> -> vector<16xf32>
      %reduce_sum3A_528 = vector.extract %reduce_sum3A_527[15] : f32 from vector<16xf32>
      %eq3A_529 = arith.constant 13 : i32
      %eq3A_530 = vector.broadcast %eq3A_529 : i32 to vector<16xi32>
      %eq3A_531 = arith.cmpi eq, %iota3A, %eq3A_530 : vector<16xi32>
      %broadcast_in_dim3A_532 = vector.broadcast %reduce_sum3A_528 : f32 to vector<16xf32>
      %select_n3A_533 = arith.select %eq3A_531, %broadcast_in_dim3A_532, %select_n3A_507 : vector<16xi1>, vector<16xf32>
      %add3A_534 = arith.constant 14 : i32
      %add3A_535 = arith.addi %mul3A_172, %add3A_534 : i32
      %get3A_536 = arith.index_cast %add3A_535 : i32 to index
      %get3A_537 = arith.constant 0 : index
      %get3A_538 = tpu.vector_load %arg9[%get3A_536, %get3A_537] {strides = array<i32>} : memref<512x32xf32, #tpu.memory_space<vmem>>, vector<16xf32>,
      %get3A_539 = arith.index_cast %add3A_535 : i32 to index
      %get3A_540 = arith.constant 16 : index
      %get3A_541 = tpu.vector_load %arg9[%get3A_539, %get3A_540] {strides = array<i32>} : memref<512x32xf32, #tpu.memory_space<vmem>>, vector<16xf32>,
      %get3A_542 = arith.index_cast %add3A_535 : i32 to index
      %get3A_543 = arith.constant 0 : index
      %get3A_544 = tpu.vector_load %arg10[%get3A_542, %get3A_543] {strides = array<i32>} : memref<512x32xf32, #tpu.memory_space<vmem>>, vector<16xf32>,
      %get3A_545 = arith.index_cast %add3A_535 : i32 to index
      %get3A_546 = arith.constant 16 : index
      %get3A_547 = tpu.vector_load %arg10[%get3A_545, %get3A_546] {strides = array<i32>} : memref<512x32xf32, #tpu.memory_space<vmem>>, vector<16xf32>,
      %mul3A_548 = arith.mulf %get3A_538, %get3A_544 : vector<16xf32>
      %mul3A_549 = arith.mulf %get3A_541, %get3A_547 : vector<16xf32>
      %add3A_550 = arith.addf %mul3A_548, %mul3A_549 : vector<16xf32>
      %reduce_sum3A_551 = arith.constant true
      %reduce_sum3A_552 = vector.broadcast %reduce_sum3A_551 : i1 to vector<16xi1>
      %reduce_sum3A_553 = tpu.scan <sum>, %add3A_550 masked %reduce_sum3A_552 : vector<16xf32>, vector<16xi1> -> vector<16xf32>
      %reduce_sum3A_554 = vector.extract %reduce_sum3A_553[15] : f32 from vector<16xf32>
      %eq3A_555 = arith.constant 14 : i32
      %eq3A_556 = vector.broadcast %eq3A_555 : i32 to vector<16xi32>
      %eq3A_557 = arith.cmpi eq, %iota3A, %eq3A_556 : vector<16xi32>
      %broadcast_in_dim3A_558 = vector.broadcast %reduce_sum3A_554 : f32 to vector<16xf32>
      %select_n3A_559 = arith.select %eq3A_557, %broadcast_in_dim3A_558, %select_n3A_533 : vector<16xi1>, vector<16xf32>
      %add3A_560 = arith.constant 15 : i32
      %add3A_561 = arith.addi %mul3A_172, %add3A_560 : i32
      %get3A_562 = arith.index_cast %add3A_561 : i32 to index
      %get3A_563 = arith.constant 0 : index
      %get3A_564 = tpu.vector_load %arg9[%get3A_562, %get3A_563] {strides = array<i32>} : memref<512x32xf32, #tpu.memory_space<vmem>>, vector<16xf32>,
      %get3A_565 = arith.index_cast %add3A_561 : i32 to index
      %get3A_566 = arith.constant 16 : index
      %get3A_567 = tpu.vector_load %arg9[%get3A_565, %get3A_566] {strides = array<i32>} : memref<512x32xf32, #tpu.memory_space<vmem>>, vector<16xf32>,
      %get3A_568 = arith.index_cast %add3A_561 : i32 to index
      %get3A_569 = arith.constant 0 : index
      %get3A_570 = tpu.vector_load %arg10[%get3A_568, %get3A_569] {strides = array<i32>} : memref<512x32xf32, #tpu.memory_space<vmem>>, vector<16xf32>,
      %get3A_571 = arith.index_cast %add3A_561 : i32 to index
      %get3A_572 = arith.constant 16 : index
      %get3A_573 = tpu.vector_load %arg10[%get3A_571, %get3A_572] {strides = array<i32>} : memref<512x32xf32, #tpu.memory_space<vmem>>, vector<16xf32>,
      %mul3A_574 = arith.mulf %get3A_564, %get3A_570 : vector<16xf32>
      %mul3A_575 = arith.mulf %get3A_567, %get3A_573 : vector<16xf32>
      %add3A_576 = arith.addf %mul3A_574, %mul3A_575 : vector<16xf32>
      %reduce_sum3A_577 = arith.constant true
      %reduce_sum3A_578 = vector.broadcast %reduce_sum3A_577 : i1 to vector<16xi1>
      %reduce_sum3A_579 = tpu.scan <sum>, %add3A_576 masked %reduce_sum3A_578 : vector<16xf32>, vector<16xi1> -> vector<16xf32>
      %reduce_sum3A_580 = vector.extract %reduce_sum3A_579[15] : f32 from vector<16xf32>
      %eq3A_581 = arith.constant 15 : i32
      %eq3A_582 = vector.broadcast %eq3A_581 : i32 to vector<16xi32>
      %eq3A_583 = arith.cmpi eq, %iota3A, %eq3A_582 : vector<16xi32>
      %broadcast_in_dim3A_584 = vector.broadcast %reduce_sum3A_580 : f32 to vector<16xf32>
      %select_n3A_585 = arith.select %eq3A_583, %broadcast_in_dim3A_584, %select_n3A_559 : vector<16xi1>, vector<16xf32>
      %neg3A = arith.constant 0.000000e+00 : f32
      %neg3A_586 = vector.broadcast %neg3A : f32 to vector<16xf32>
      %neg3A_587 = arith.subf %neg3A_586, %select_n3A_585 : vector<16xf32>
      %exp3A = math.exp %neg3A_587 : vector<16xf32>
      %add3A_588 = arith.constant 1.000000e+00 : f32
      %add3A_589 = vector.broadcast %add3A_588 : f32 to vector<16xf32>
      %add3A_590 = arith.addf %add3A_589, %exp3A : vector<16xf32>
      %div3A = arith.constant 1.000000e+00 : f32
      %div3A_591 = vector.broadcast %div3A : f32 to vector<16xf32>
      %div3A_592 = arith.divf %div3A_591, %add3A_590 : vector<16xf32>
      %swap3A = arith.index_cast %mul3A_172 : i32 to index
      %swap3A_593 = tpu.vector_load %arg11[%swap3A] {strides = array<i32>} : memref<512xf32, #tpu.memory_space<vmem>>, vector<16xf32>,
      tpu.vector_store %arg11[%swap3A], %div3A_592 {strides = array<i32>} : memref<512xf32, #tpu.memory_space<vmem>>, vector<16xf32>,
    }
    %scan3A_167 = arith.constant 32 : i32
    %mul3A_168 = arith.constant 512 : i32
    %mul3A_169 = arith.muli %add3A, %mul3A_168 : i32
    "tpu.region"() ({
      %run_scoped3A = tpu.sem_alloc : memref<!tpu.dma_semaphore, #tpu.memory_space<semaphore_mem>>
      %dma_start3A_170 = tpu.memref_slice %arg6[%mul3A_169] : memref<16384xf32, #tpu.memory_space<hbm>> -> memref<512xf32, #tpu.memory_space<hbm>>
      %dma_start3A_171 = tpu.memref_slice %arg6[%mul3A_169] : memref<16384xf32, #tpu.memory_space<hbm>> -> memref<512xf32, #tpu.memory_space<hbm>>
      tpu.enqueue_dma source(%arg11 : memref<512xf32, #tpu.memory_space<vmem>>) target(%dma_start3A_171 : memref<512xf32, #tpu.memory_space<hbm>>) target_semaphore(%run_scoped3A : memref<!tpu.dma_semaphore, #tpu.memory_space<semaphore_mem>>)
      %dma_wait3A_172 = tpu.memref_slice %arg6[%mul3A_169] : memref<16384xf32, #tpu.memory_space<hbm>> -> memref<512xf32, #tpu.memory_space<hbm>>
      %dma_wait3A_173 = tpu.memref_slice %arg6[%mul3A_169] : memref<16384xf32, #tpu.memory_space<hbm>> -> memref<512xf32, #tpu.memory_space<hbm>>
      tpu.wait_dma2 semaphore(%run_scoped3A : memref<!tpu.dma_semaphore, #tpu.memory_space<semaphore_mem>>) src(%arg11 : memref<512xf32, #tpu.memory_space<vmem>>) dst(%dma_wait3A_173 : memref<512xf32, #tpu.memory_space<hbm>>)
      tpu.yield
    }) : () -> ()
    return
  }
}

</mosaic_0001>

<sc_bundles>
// kernel: kernel.3.cloned.1.call-start
scs
__scs_entry_jumppad:
0x0: {  	(pc) =	sbr.rel $0x88, $3  }
0x1: {  	(tag) =	ssettag $0x0;
	lr =	simm.s32 $0x1  }
0x2: {  	[smem:$0x3F9D] =	sst lr;
	_ =	strace $0xD0000000  }
0x3: {  	_ = 	snop  }
0x4: {  	_ = 	snop  }
0x5: {  	_ = 	snop  }
0x6: {  	_ = 	snop  }
0x7: {  	_ = 	snop  }
__scs_overlays_trampoline_lowered:
0x8: {  	[smem:$0x3FAC] =	sst s0  }
0x9: {  	[smem:$0x3FAD] =	sst s1  }
0xa: {  	[smem:$0x3FAE] =	sst s2  }
0xb: {  	[smem:$0x3FAF] =	sst s3  }
0xc: {  	[smem:$0x3FB0] =	sst s4  }
0xd: {  	[smem:$0x3FB1] =	sst s5  }
0xe: {  	[smem:$0x3FB2] =	sst s6  }
0xf: {  	[smem:$0x3FB3] =	sst s7  }
0x10: {  	[smem:$0x3FB4] =	sst s8  }
0x11: {  	[smem:$0x3FB5] =	sst s9;
	s0 =	simm.s32 @!p0 $0x0  }
0x12: {  	s1 =	sld [smem:$0x3F9B];
	s0 =	simm.s32 @p0 $0x1  }
0x13: {  	[smem:$0x3FB6] =	sst s0;
	s0 =	simm.s32 @!p1 $0x0  }
0x14: {  	s2 =	sld [smem:$0x3F9A];
	s0 =	simm.s32 @p1 $0x1  }
0x15: {  	[smem:$0x3FB7] =	sst s0;
	s0 =	simm.s32 @!p2 $0x0  }
0x16: {  	s3 =	sld [smem:$0x3FDB];
	s0 =	simm.s32 @p2 $0x1  }
0x17: {  	s4 =	simm.s32 $0x1BF5;
	[smem:$0x3FB9] =	sst s0  }
0x18: {  	s0 =	sld [smem:$0x3F9C];
	_ =	swait.ge [sflag:s4], $0x0  }
0x19: {  	s7 =	sld [smem:$0x3F9D]  }
0x1a: {  	s8 =	sadd.s32 $0xFFFFE003, lr  }
0x1b: {  	s9 =	sadd.s32 $0xFFFFFEF7, lr;
	s5 =	simm.s32 $0xFFFFFFFF;
	p2 =	slt.u32 s8, $0xFFFFF086  }
0x1c: {  	p1 =	slt.u32 s9, $0xF7A;
	s5 =	simm.s32 @!p2 $0x0  }
0x1d: {  	s5 =	simm.s32 @p1 $0x1;
	p0 =	seq.s32 s7, s2  }
0x1e: {  	s7 =	smul.u32 @!p0 $0xF7A, s2;
	p2 =	seq.s32 @!p0 s5, $0x0  }
0x1f: {  	s9 =	smul.u32 $0xF7A, s1;
	s8 =	simm.s32 @!p0 $0x1BF5;
	p2 =	por !p2, p0  }
0x20: {  	[sflag:s8] =	ssyncset.s32 @!p0 $0xFFFFF086;
	s6 =	sadd.s32 @!p0 s3, s7;
	s7 =	simm.s32 @!p0 $0x108  }
0x21: {  	s3 =	sadd.s32 s3, s9;
	s6 =	sadd.s32 @!p0 $0x88, s6;
	s7 =	simm.s32 @p2 $0x1082  }
0x22: {  	[simem:s7], [sflag:s8] =	dma.local @!p0 [hbm:s6], $0xF7A  }
0x23: {  	s9 =	sor.u32 $0xD0000000, s2;
	s6 =	simm.s32 $0x108;
	_ =	swait.ge @!p0 [sflag:s8], $0x0  }
0x24: {  	s3 =	sadd.s32 $0x88, s3;
	s6 =	simm.s32 @!p1 $0x1082;
	[sflag:s4] =	ssyncset.s32 $0xFFFFF086  }
0x25: {  	[simem:s6], [sflag:s4] =	dma.local [hbm:s3], $0xF7A  }
0x26: {  	[smem:$0x3F9D] =	sst s1;
	(tag) =	ssettag s2;
	_ =	strace s9  }
0x27: {  	s1 =	sld [smem:$0x3FAD]  }
0x28: {  	s2 =	sld [smem:$0x3FAE]  }
0x29: {  	s4 =	sld [smem:$0x3FB0]  }
0x2a: {  	p0 =	seq.s32 s5, $0x0;
	s5 =	sld [smem:$0x3FB1]  }
0x2b: {  	s6 =	sld [smem:$0x3FB2]  }
0x2c: {  	s7 =	sld [smem:$0x3FB3]  }
0x2d: {  	s3 =	simm.s32 $0x108;
	s8 =	sld [smem:$0x3FB4]  }
0x2e: {  	s3 =	simm.s32 @!p0 $0x1082;
	s9 =	sld [smem:$0x3FB5]  }
0x2f: {  	lr =	sadd.s32 s0, s3;
	s0 =	sld [smem:$0x3FAC]  }
0x30: {  	s3 =	sld [smem:$0x3FAF]  }
0x31: {  	[smem:$0x3FB8] =	sst s10  }
0x32: {  	s10 =	sld [smem:$0x3FB6];
	_ =	sdelay $0x3  }
0x33: {  	p0 =	seq.s32 s10, $0x1;
	s10 =	sld [smem:$0x3FB8];
	_ =	sdelay $0x3  }
0x34: {  	[smem:$0x3FB8] =	sst s10  }
0x35: {  	s10 =	sld [smem:$0x3FB7];
	_ =	sdelay $0x3  }
0x36: {  	p1 =	seq.s32 s10, $0x1;
	s10 =	sld [smem:$0x3FB8];
	_ =	sdelay $0x3  }
0x37: {  	[smem:$0x3FB8] =	sst s10  }
0x38: {  	s10 =	sld [smem:$0x3FB9]  }
0x39: {  	_ = 	snop;
	(pc) =	sbr.ind lr, $3  }
0x3a: {  	_ = 	snop  }
0x3b: {  	_ = 	snop  }
0x3c: {  	p2 =	seq.s32 s10, $0x1;
	s10 =	sld [smem:$0x3FB8]  }
0x3d: {  	_ =	shalt  }
0x3e: {  	_ =	shalt  }
0x3f: {  	_ =	shalt  }
0x40: {  	_ =	shalt  }
0x41: {  	_ =	shalt  }
0x42: {  	_ =	shalt  }
0x43: {  	_ =	shalt  }
0x44: {  	_ =	shalt  }
0x45: {  	_ =	shalt  }
0x46: {  	_ =	shalt  }
0x47: {  	_ =	shalt  }
0x48: {  	_ =	shalt  }
0x49: {  	_ =	shalt  }
0x4a: {  	_ =	shalt  }
0x4b: {  	_ =	shalt  }
0x4c: {  	_ =	shalt  }
0x4d: {  	_ =	shalt  }
0x4e: {  	_ =	shalt  }
0x4f: {  	_ =	shalt  }
0x50: {  	_ =	shalt  }
0x51: {  	_ =	shalt  }
0x52: {  	_ =	shalt  }
0x53: {  	_ =	shalt  }
0x54: {  	_ =	shalt  }
0x55: {  	_ =	shalt  }
0x56: {  	_ =	shalt  }
0x57: {  	_ =	shalt  }
0x58: {  	_ =	shalt  }
0x59: {  	_ =	shalt  }
0x5a: {  	_ =	shalt  }
0x5b: {  	_ =	shalt  }
0x5c: {  	_ =	shalt  }
0x5d: {  	_ =	shalt  }
0x5e: {  	_ =	shalt  }
0x5f: {  	_ =	shalt  }
0x60: {  	_ =	shalt  }
0x61: {  	_ =	shalt  }
0x62: {  	_ =	shalt  }
0x63: {  	_ =	shalt  }
0x64: {  	_ =	shalt  }
0x65: {  	_ =	shalt  }
0x66: {  	_ =	shalt  }
0x67: {  	_ =	shalt  }
0x68: {  	_ =	shalt  }
0x69: {  	_ =	shalt  }
0x6a: {  	_ =	shalt  }
0x6b: {  	_ =	shalt  }
0x6c: {  	_ =	shalt  }
0x6d: {  	_ =	shalt  }
0x6e: {  	_ =	shalt  }
0x6f: {  	_ =	shalt  }
0x70: {  	_ =	shalt  }
0x71: {  	_ =	shalt  }
0x72: {  	_ =	shalt  }
0x73: {  	_ =	shalt  }
0x74: {  	_ =	shalt  }
0x75: {  	_ =	shalt  }
0x76: {  	_ =	shalt  }
0x77: {  	_ =	shalt  }
0x78: {  	_ =	shalt  }
0x79: {  	_ =	shalt  }
0x7a: {  	_ =	shalt  }
0x7b: {  	_ =	shalt  }
0x7c: {  	_ =	shalt  }
0x7d: {  	_ =	shalt  }
0x7e: {  	_ =	shalt  }
0x7f: {  	_ =	shalt  }
0x80: {  	_ =	shalt  }
0x81: {  	_ =	shalt  }
0x82: {  	_ =	shalt  }
0x83: {  	_ =	shalt  }
0x84: {  	_ =	shalt  }
0x85: {  	_ =	shalt  }
0x86: {  	_ =	shalt  }
0x87: {  	_ =	shalt  }
.Lfunc_end0:
.L_simem_size_0:
called_computation_lowered:
.L_overlay_start_0:
0x88: {  	s2 =	sld [smem:$0x3FD9]  }
0x89: {  	s3 =	sld [smem:$0x3FFE];
	_ =	sdelay $0x1  }
0x8a: {  	s1 =	srdreg.scid  }
0x8b: {  	s0 =	sand.u32 $0x1, s1  }
0x8c: {  	s17 =	sshll.u32 s0, $0xA;
	s2 =	sadd.s32 s3, s2  }
0x8d: {  	s2 =	sadd.s32 s2, s17  }
0x8e: {  	[smem:$0x3FC4] =	sst s2  }
0x8f: {  	_ = 	snop  }
0x90: {  	s2 =	sld [smem:$0x3FC9]  }
0x91: {  	s18 =	sld [smem:$0x3FC8]  }
0x92: {  	s4 =	sld [smem:$0x3FD0];
	(tm) =	ssettm $0x1  }
0x93: {  	s5 =	sld [smem:$0x3FFB];
	_ =	sdelay $0x3  }
0x94: {  	_ =	strace s5  }
0x95: {  	s5 =	sld [smem:$0x3FFC];
	_ =	sdelay $0x3  }
0x96: {  	_ =	strace s5  }
0x97: {  	s5 =	sld [smem:$0x3FFD];
	_ =	sdelay $0x3  }
0x98: {  	_ =	strace s5  }
0x99: {  	_ =	strace $0x8FFFFFFF  }
0x9a: {  	s19 =	sld [smem:$0x3FDB];
	_ =	sdelay $0x1  }
0x9b: {  	s6 =	simm.s32 $_scs_section_size  }
0x9c: {  	s7 =	simm.s32 $_size__tile_overlayer_lowered;
	s8 =	simm.s32 $_tile_overlayer_lowered  }
0x9d: {  	s22 =	simm.s32 $0x1BFF;
	s21 =	sshll.u32 s8, $0x1;
	s5 =	sadd.s32 s6, s19  }
0x9e: {  	s9 =	simm.s32 $0x0;
	s20 =	sshll.u32 s7, $0x1;
	s7 =	sadd.s32 s21, s5  }
0x9f: {  	[timem:s9], [sflag:s22] =	dma.local [hbm:s7], s20  }
0xa0: {  	_ =	swait.ge [sflag:s22], s20  }
0xa1: {  	s6 =	ssub.s32 $0x0, s20;
	[sflag:s22] =	ssyncset.done $0x0  }
0xa2: {  	[sflag:s22] =	ssyncadd.s32 s6;
	_ =	sdelay $0x1  }
0xa3: {  	s23 =	simm.s32 $0x1B8B  }
0xa4: {  	_ =	swait.ge [sflag:s23], $0x1  }
0xa5: {  	[sflag:s23] =	ssyncset.done $0x0  }
0xa6: {  	s25 =	simm.s32 $0x1B8E;
	s24 =	sld [smem:$0x3FFE];
	[sflag:s23] =	ssyncadd.s32 $0xFFFFFFFF  }
0xa7: {  	s26 =	simm.s32 $execute0_lowered;
	[smem:$0x3FD2] =	sst s25  }
0xa8: {  	s7 =	sshll.u32 s26, $0x1;
	_ =	strace $0x80000046;
	[dreg:$0x1] =	wrdreg $0xFFFFFFFF  }
0xa9: {  	s28 =	simm.s32 $_size_execute0_lowered;
	s5 =	sadd.s32 s5, s7;
	[dreg:$0x0] =	wrdreg $0x0  }
0xaa: {  	s7 =	sshll.u32 s28, $0x1;
	[dreg:$0x2] =	wrdreg s5  }
0xab: {  	[dreg:$0x3] =	wrdreg s7  }
0xac: {  	[dreg:$0x4] =	wrdreg $0xC0  }
0xad: {  	_ =	task [dreg:s9], $0x5FFFF  }
0xae: {  	[dreg:$0x1] =	wrdreg $0xFFFFFFFF  }
0xaf: {  	[dreg:$0x0] =	wrdreg $0x60  }
0xb0: {  	[dreg:$0x2] =	wrdreg s2  }
0xb1: {  	[dreg:$0x3] =	wrdreg s18  }
0xb2: {  	[dreg:$0x4] =	wrdreg s24  }
0xb3: {  	[dreg:$0x5] =	wrdreg s4  }
0xb4: {  	[dreg:$0x6] =	wrdreg $0x9  }
0xb5: {  	_ =	task.clear_ibuf [dreg:s9], $0x7FFFF;
	_ =	strace $0x90000046  }
0xb6: {  	s29 =	simm.s32 $0x9;
	_ =	strace $0x80000048  }
0xb7: {  	_ =	swait.ge [sflag:s29], $0x1  }
0xb8: {  	[sflag:s29] =	ssyncadd.s32 $0xFFFFFFFF  }
0xb9: {  	_ =	strace $0x90000048  }
0xba: {  	_ =	sfence  }
0xbb: {  	s30 =	sld [smem:$0x0];
	_ =	sdelay $0x2  }
0xbc: {  	s31 =	sshll.u32 s1, $0xD;
	s1 =	sshrl.u32 s1, $0x2  }
0xbd: {  	s3 =	sand.u32 $0x4000, s31;
	s1 =	sadd.s32 s1, s30  }
0xbe: {  	s0 =	sor.u32 s3, s0;
	s1 =	sshll.u32 s1, $0x11  }
0xbf: {  	s0 =	sor.u32 s1, s0  }
0xc0: {  	s0 =	sadd.s32 $0x8F2B, s0  }
0xc1: {  	[sflag:s0] =	ssyncadd.remote.s32 $0x1  }
0xc2: {  	_ =	sfence.sel $0xFFFF  }
0xc3: {  	[dreg:$0x0] =	wrdreg $0xFFFFFFFF;
	(pc) =	sbr.abs _section_cstart, $3  }
0xc4: {  	[dreg:$0x1] =	wrdreg $0xFFFFFFFF  }
0xc5: {  	_ =	task.clear_ibuf [dreg:s9], $0x2FFFF;
	_ =	strace $0x9FFFFFFF  }
0xc6: {  	(tm) =	ssettm $0x7FFFFFFF  }
0xc7: {  	_ =	shalt  }
tec
execute0_lowered:
.L_overlay_start_1:
0x0: {  	(tag) =	ssettag $0x1  }
0x1: {  	s0 =	rddreg [dreg:$0x0]  }
0x2: {  	s6 =	rddreg [dreg:$0x1]  }
0x3: {  	s4 =	rddreg [dreg:$0x2]  }
0x4: {  	s7 =	rddreg [dreg:$0x3];
	s1 =	simm.s32 $0x0;
	s2 =	srdreg.scid  }
0x5: {  	s11 =	simm.s32 $0x80;
	s12 =	simm.s32 $0x400;
	s13 =	simm.s32 $0x4400  }
0x6: {  	s14 =	simm.s32 $0x1400;
	s15 =	simm.s32 $0x280;
	s16 =	simm.s32 $0x5400  }
0x7: {  	s17 =	simm.s32 $0x100;
	s18 =	simm.s32 $0x2400;
	s19 =	simm.s32 $0x300  }
0x8: {  	s20 =	simm.s32 $0x6400;
	s21 =	simm.s32 $0x180;
	s22 =	simm.s32 $0x3400  }
0x9: {  	s23 =	simm.s32 $0x380;
	s24 =	simm.s32 $0x7400;
	s25 =	simm.s32 $0x1  }
0xa: {  	s26 =	simm.s32 $0x2;
	s28 =	simm.s32 $0x8400;
	s29 =	simm.s32 $0x0  }
0xb: {  	[smem:$0x7FF] =	sst s1;
	s5 =	sand.u32 $0x1, s2;
	s3 =	sadd.s32 $0xF42800, s4  }
0xc: {  	vm0 =	vmmov $0x1;
	vm1 =	vmmov $0x3;
	vm2 =	vmmov $0x7;
	s2 =	stileid.u32;
	s4 =	sadd.s32 $0x1313200, s4;
	_ =	strace $0x80000047  }
0xd: {  	vm3 =	vmmov $0xf;
	vm4 =	vmmov $0x1f;
	vm5 =	vmmov $0x3f;
	s8 =	ssub.s32 $0x2, s5;
	s10 =	sshll.u32 s2, $0x7;
	s5 =	sshll.u32 s5, $0x6  }
0xe: {  	vm6 =	vmmov $0x7f;
	vm7 =	vmmov $0xff;
	vm8 =	vmmov $0x1ff;
	s9 =	sshrl.u32 s8, $0x1;
	s31 =	sor.u32 s5, s10;
	s10 =	simm.s32 $0x200  }
0xf: {  	vm9 =	vmmov $0x3ff;
	vm10 =	vmmov $0x7ff;
	vm11 =	vmmov $0xfff;
	s8 =	ssub.s32 s8, s9;
	s5 =	sadd.s32 s0, s31;
	s6 =	sadd.s32 s6, s31  }
0x10: {  	vm12 =	vmmov $0x1fff;
	vm13 =	vmmov $0x3fff;
	vm14 =	vmmov $0x7fff;
	s7 =	sadd.s32 s7, s31;
	s9 =	simm.s32 $0x3;
	s8 =	smax.u32 s8, $0x1  }
.LBB2_1:
0x11: {  	[tilespmem:s1], [sflag:$0x3] =	stream.linear.gather [hbm4b:s5+s1], $0x200, $0x38;
	[tilespmem:$0x8600] =	vst v63  }
0x12: {  	_ =	swait.ge [sflag:s9], $0x200  }
0x13: {  	[sflag:s9] =	ssyncset.done $0x0  }
0x14: {  	[sflag:s9] =	ssyncadd.s32 $0xFFFFFE00  }
0x15: {  	[tilespmem:s10], [sflag:$0x3] =	stream.linear.gather [hbm4b:s6+s1], $0x200, $0x38;
	[tilespmem:$0x8600] =	vst v63  }
0x16: {  	_ =	swait.ge [sflag:s9], $0x200  }
0x17: {  	[sflag:s9] =	ssyncset.done $0x0  }
0x18: {  	[sflag:s9] =	ssyncadd.s32 $0xFFFFFE00  }
0x19: {  	[tilespmem:s12], [sflag:$0x1] =	stream.indirect.gather [hbm4b:s3+s11], $0x20, s1, s11, $0xb8;
	[tilespmem:$0x8600] =	vst v63  }
0x1a: {  	_ = 	snop  }
0x1b: {  	[tilespmem:s13], [sflag:$0x2] =	stream.indirect.gather [hbm4b:s4+s11], $0x20, s10, s11, $0xb8;
	[tilespmem:$0x8600] =	vst v63  }
0x1c: {  	_ = 	snop  }
0x1d: {  	[tilespmem:s14], [sflag:$0x1] =	stream.indirect.gather [hbm4b:s3+s11], $0x20, s11, s11, $0xb8;
	[tilespmem:$0x8600] =	vst v63  }
0x1e: {  	_ = 	snop  }
0x1f: {  	[tilespmem:s16], [sflag:$0x2] =	stream.indirect.gather [hbm4b:s4+s11], $0x20, s15, s11, $0xb8;
	[tilespmem:$0x8600] =	vst v63  }
0x20: {  	_ = 	snop  }
0x21: {  	[tilespmem:s18], [sflag:$0x1] =	stream.indirect.gather [hbm4b:s3+s11], $0x20, s17, s11, $0xb8;
	[tilespmem:$0x8600] =	vst v63  }
0x22: {  	_ = 	snop  }
0x23: {  	[tilespmem:s20], [sflag:$0x2] =	stream.indirect.gather [hbm4b:s4+s11], $0x20, s19, s11, $0xb8;
	[tilespmem:$0x8600] =	vst v63  }
0x24: {  	_ = 	snop  }
0x25: {  	[tilespmem:s22], [sflag:$0x1] =	stream.indirect.gather [hbm4b:s3+s11], $0x20, s21, s11, $0xb8;
	[tilespmem:$0x8600] =	vst v63  }
0x26: {  	_ = 	snop  }
0x27: {  	[tilespmem:s24], [sflag:$0x2] =	stream.indirect.gather [hbm4b:s4+s11], $0x20, s23, s11, $0xb8;
	[tilespmem:$0x8600] =	vst v63  }
0x28: {  	_ =	swait.ge [sflag:s25], $0x1000  }
0x29: {  	[sflag:s25] =	ssyncset.done $0x0  }
0x2a: {  	[sflag:s25] =	ssyncadd.s32 $0xFFFFF000  }
0x2b: {  	_ =	swait.ge [sflag:s26], $0x1000  }
0x2c: {  	[sflag:s26] =	ssyncset.done $0x0  }
0x2d: {  	[sflag:s26] =	ssyncadd.s32 $0xFFFFF000  }
0x2e: {  	_ =	swait.ge [sflag:s25], $0x1000  }
0x2f: {  	[sflag:s25] =	ssyncset.done $0x0  }
0x30: {  	[sflag:s25] =	ssyncadd.s32 $0xFFFFF000  }
0x31: {  	_ =	swait.ge [sflag:s26], $0x1000  }
0x32: {  	[sflag:s26] =	ssyncset.done $0x0  }
0x33: {  	[sflag:s26] =	ssyncadd.s32 $0xFFFFF000  }
0x34: {  	_ =	swait.ge [sflag:s25], $0x1000  }
0x35: {  	[sflag:s25] =	ssyncset.done $0x0  }
0x36: {  	[sflag:s25] =	ssyncadd.s32 $0xFFFFF000  }
0x37: {  	_ =	swait.ge [sflag:s26], $0x1000  }
0x38: {  	[sflag:s26] =	ssyncset.done $0x0  }
0x39: {  	[sflag:s26] =	ssyncadd.s32 $0xFFFFF000  }
0x3a: {  	_ =	swait.ge [sflag:s25], $0x1000  }
0x3b: {  	[sflag:s25] =	ssyncset.done $0x0  }
0x3c: {  	[sflag:s25] =	ssyncadd.s32 $0xFFFFF000  }
0x3d: {  	_ =	swait.ge [sflag:s26], $0x1000  }
0x3e: {  	[sflag:s26] =	ssyncset.done $0x0  }
0x3f: {  	s0 =	simm.s32 $0x0;
	[sflag:s26] =	ssyncadd.s32 $0xFFFFF000  }
0x40: {  	v0 =	vld [tilespmem:s0+$0x5C0]  }
0x41: {  	v1 =	vld [tilespmem:s0+$0x45C0]  }
0x42: {  	v2 =	vld [tilespmem:s0+$0x5D0]  }
0x43: {  	v3 =	vld [tilespmem:s0+$0x45D0]  }
0x44: {  	v4 =	vld [tilespmem:s0+$0x5A0]  }
0x45: {  	v5 =	vld [tilespmem:s0+$0x580]  }
0x46: {  	v6 =	vld [tilespmem:s0+$0x4580]  }
0x47: {  	v7 =	vld [tilespmem:s0+$0x590]  }
0x48: {  	v8 =	vld [tilespmem:s0+$0x4590]  }
0x49: {  	v9 =	vld [tilespmem:s0+$0x560]  }
0x4a: {  	v10 =	vld [tilespmem:s0+$0x4560]  }
0x4b: {  	v11 =	vld [tilespmem:s0+$0x570]  }
0x4c: {  	v12 =	vld [tilespmem:s0+$0x4570]  }
0x4d: {  	v13 =	vld [tilespmem:s0+$0x540]  }
0x4e: {  	v14 =	vld [tilespmem:s0+$0x520]  }
0x4f: {  	v15 =	vld [tilespmem:s0+$0x4520]  }
0x50: {  	v16 =	vld [tilespmem:s0+$0x530]  }
0x51: {  	v17 =	vld [tilespmem:s0+$0x4530]  }
0x52: {  	v18 =	vld [tilespmem:s0+$0x500]  }
0x53: {  	v19 =	vld [tilespmem:s0+$0x4500]  }
0x54: {  	v20 =	vld [tilespmem:s0+$0x510]  }
0x55: {  	v21 =	vld [tilespmem:s0+$0x4510]  }
0x56: {  	v22 =	vld [tilespmem:s0+$0x4E0]  }
0x57: {  	v23 =	vld [tilespmem:s0+$0x4C0]  }
0x58: {  	v24 =	vld [tilespmem:s0+$0x44C0]  }
0x59: {  	v25 =	vld [tilespmem:s0+$0x4D0]  }
0x5a: {  	v26 =	vld [tilespmem:s0+$0x44D0]  }
0x5b: {  	v27 =	vld [tilespmem:s0+$0x4A0]  }
0x5c: {  	v28 =	vld [tilespmem:s0+$0x44A0]  }
0x5d: {  	v29 =	vld [tilespmem:s0+$0x4B0]  }
0x5e: {  	v30 =	vld [tilespmem:s0+$0x44B0]  }
0x5f: {  	v31 =	vld [tilespmem:s0+$0x480]  }
0x60: {  	v32 =	vld [tilespmem:s0+$0x460]  }
0x61: {  	v33 =	vld [tilespmem:s0+$0x4460]  }
0x62: {  	v34 =	vld [tilespmem:s0+$0x470]  }
0x63: {  	v35 =	vld [tilespmem:s0+$0x4470]  }
0x64: {  	v36 =	vld [tilespmem:s0+$0x440]  }
0x65: {  	v37 =	vld [tilespmem:s0+$0x4440]  }
0x66: {  	v38 =	vld [tilespmem:s0+$0x450]  }
0x67: {  	v39 =	vld [tilespmem:s0+$0x4450]  }
0x68: {  	v40 =	vld [tilespmem:s0+$0x4400]  }
0x69: {  	v41 =	vld [tilespmem:s0+$0x400]  }
0x6a: {  	v0 =	vmul.f32 v1, v0;
	v1 =	vmul.f32 v3, v2;
	v2 =	vld [tilespmem:s0+$0x410]  }
0x6b: {  	v3 =	vmul.f32 v6, v5;
	v5 =	vmul.f32 v8, v7;
	v6 =	vld [tilespmem:s0+$0x4410]  }
0x6c: {  	v7 =	vmul.f32 v12, v11;
	v8 =	vld [tilespmem:s0+$0x420];
	v0 =	vadd.f32 v1, v0;
	v1 =	vmul.f32 v10, v9  }
0x6d: {  	v11 =	vld [tilespmem:s0+$0x430];
	v3 =	vadd.f32 v5, v3;
	v5 =	vmul.f32 v15, v14;
	v9 =	vmul.f32 v17, v16  }
0x6e: {  	v12 =	vld [tilespmem:s0+$0x4430];
	(xrf2) =	vadd.scan.msk.f32 $0xffff, v0;
	v0 =	vadd.f32 v7, v1;
	v1 =	vmul.f32 v19, v18;
	v7 =	vmul.f32 v21, v20  }
0x6f: {  	v10 =	vld [tilespmem:s0+$0x4420];
	(xrf2) =	vadd.scan.msk.f32 $0xffff, v3;
	v3 =	vadd.f32 v9, v5;
	v5 =	vmul.f32 v24, v23;
	v9 =	vmul.f32 v26, v25  }
0x70: {  	v14 =	vld [tilespmem:s0+$0x4480];
	(xrf2) =	vadd.scan.msk.f32 $0xffff, v0;
	v0 =	vadd.f32 v7, v1;
	v1 =	vmul.f32 v28, v27;
	v7 =	vmul.f32 v30, v29  }
0x71: {  	v15 =	vld [tilespmem:s0+$0x490];
	(xrf2) =	vadd.scan.msk.f32 $0xffff, v3;
	v3 =	vadd.f32 v9, v5;
	v5 =	vmul.f32 v33, v32;
	v9 =	vmul.f32 v35, v34  }
0x72: {  	v16 =	vld [tilespmem:s0+$0x4490];
	(xrf2) =	vadd.scan.msk.f32 $0xffff, v0;
	v0 =	vadd.f32 v7, v1;
	v1 =	vmul.f32 v37, v36;
	v7 =	vmul.f32 v39, v38  }
0x73: {  	v2 =	vmul.f32 v6, v2;
	v6 =	vld [tilespmem:s0+$0x44E0];
	(xrf2) =	vadd.scan.msk.f32 $0xffff, v3;
	v3 =	vadd.f32 v9, v5  }
0x74: {  	v5 =	vmul.f32 v40, v41;
	(xrf2) =	vadd.scan.msk.f32 $0xffff, v0;
	v0 =	vadd.f32 v7, v1;
	v1 =	vmul.f32 v10, v8;
	v8 =	vld [tilespmem:s0+$0x4F0]  }
0x75: {  	v7 =	vmul.f32 v12, v11;
	v10 =	vld [tilespmem:s0+$0x4550]  }
0x76: {  	(xrf2) =	vadd.scan.msk.f32 $0xffff, v3;
	v2 =	vadd.f32 v2, v5;
	v3 =	vld [tilespmem:s0+$0x44F0]  }
0x77: {  	(xrf2) =	vadd.scan.msk.f32 $0xffff, v0;
	v0 =	vadd.f32 v7, v1;
	v1 =	vld [tilespmem:s0+$0x4540]  }
0x78: {  	v5 =	vmul.f32 v16, v15;
	v7 =	vld [tilespmem:s0+$0x550];
	(xrf2) =	vadd.scan.msk.f32 $0xffff, v2;
	v2 =	vmul.f32 v14, v31  }
0x79: {  	v14 =	vld [tilespmem:s0+$0x45B0]  }
0x7a: {  	v9, _, _ =	vpop (xrf2);
	(xrf2) =	vadd.scan.msk.f32 $0xffff, v0;
	v2 =	vadd.f32 v5, v2;
	v5 =	vld [tilespmem:s0+$0x45A0]  }
0x7b: {  	v6 =	vmul.f32 v6, v22;
	v0, _, _ =	vpop (xrf2);
	v3 =	vmul.f32 v3, v8;
	v8 =	vld [tilespmem:s0+$0x5B0]  }
0x7c: {  	v11, _, _ =	vpop (xrf2)  }
0x7d: {  	v12, _, _ =	vpop (xrf2);
	v3 =	vadd.f32 v3, v6  }
0x7e: {  	(xrf2) =	vadd.scan.msk.f32 $0xffff, v2;
	v2, _, _ =	vpop (xrf2)  }
0x7f: {  	v1 =	vmul.f32 v1, v13;
	v7 =	vmul.f32 v10, v7;
	v15, _, _ =	vpop (xrf2)  }
0x80: {  	v4 =	vmul.f32 v5, v4;
	v13, _, _ =	vpop (xrf2);
	v5 =	vmul.f32 v14, v8  }
0x81: {  	v10 =	vld [tilespmem:s0+$0x45E0];
	(xrf2) =	vadd.scan.msk.f32 $0xffff, v3;
	v3, _, _ =	vpop (xrf2)  }
0x82: {  	v6 =	vld [tilespmem:s0+$0x5E0];
	v1 =	vadd.f32 v7, v1;
	v17, _, _ =	vpop (xrf2)  }
0x83: {  	v16 =	vld [tilespmem:s0+$0x5F0];
	v8, _, _ =	vpop (xrf2)  }
0x84: {  	v7 =	vld [tilespmem:s0+$0x45F0];
	(xrf2) =	vadd.scan.msk.f32 $0xffff, v1;
	v1 =	vadd.f32 v5, v4;
	v5, _, _ =	vpop (xrf2)  }
0x85: {  	v5 =	vbroadcast v5, $0xF;
	_ =	sdelay $0x1  }
0x86: {  	v4 =	vmul.f32 v10, v6;
	v6 =	vbroadcast v8, $0xF  }
0x87: {  	v8 =	vbroadcast v17, $0xF  }
0x88: {  	v3 =	vbroadcast v3, $0xF;
	v7 =	vmul.f32 v7, v16;
	(xrf2) =	vadd.scan.msk.f32 $0xffff, v1;
	v1 =	vsel vm0, v6, v5;
	v5, _, _ =	vpop (xrf2)  }
0x89: {  	v1 =	vsel vm1, v1, v8;
	v5 =	vbroadcast v5, $0xF  }
0x8a: {  	v4 =	vadd.f32 v7, v4;
	v1 =	vsel vm2, v1, v3;
	v3 =	vbroadcast v13, $0xF  }
0x8b: {  	v6, _, _ =	vpop (xrf2);
	v1 =	vsel vm3, v1, v5;
	v5 =	vbroadcast v15, $0xF  }
0x8c: {  	v1 =	vsel vm4, v1, v3;
	v3 =	vbroadcast v6, $0xF  }
0x8d: {  	v2 =	vbroadcast v2, $0xF;
	(xrf2) =	vadd.scan.msk.f32 $0xffff, v4;
	v1 =	vsel vm5, v1, v5  }
0x8e: {  	v4, _, _ =	vpop (xrf2);
	v1 =	vsel vm6, v1, v3;
	v3 =	vbroadcast v12, $0xF  }
0x8f: {  	v1 =	vsel vm7, v1, v2;
	v2 =	vbroadcast v4, $0xF  }
0x90: {  	v1 =	vsel vm8, v1, v3;
	v3 =	vbroadcast v11, $0xF  }
0x91: {  	v0 =	vbroadcast v0, $0xF;
	v1 =	vsel vm9, v1, v2  }
0x92: {  	v1 =	vsel vm10, v1, v3  }
0x93: {  	v2, _, _ =	vpop (xrf2);
	v0 =	vsel vm11, v1, v0;
	v1 =	vbroadcast v9, $0xF  }
0x94: {  	v2 =	vbroadcast v2, $0xF;
	_ =	sdelay $0x1  }
0x95: {  	v0 =	vsel vm12, v0, v2  }
0x96: {  	v0 =	vsel vm13, v0, v1;
	v1, _, _ =	vpop (xrf2)  }
0x97: {  	v0 =	vsel vm14, v0, v1  }
0x98: {  	v0 =	vsub.f32 $0.0e+00, v0;
	_ =	sdelay $0x1  }
0x99: {  	v0 =	vmul.f32 $1.442695020e+00, v0;
	_ =	sdelay $0x1  }
0x9a: {  	(erf) = vpow2.f32 v0;
	_ =	sdelay $0x8  }
0x9b: {  	v0 =	vpop (erf)  }
0x9c: {  	v0 =	vadd.f32 $1.000000000e+00, v0;
	_ =	sdelay $0x1  }
0x9d: {  	(erf) = vrcp.f32 v0;
	_ =	sdelay $0x8  }
0x9e: {  	v0 =	vpop (erf)  }
0x9f: {  	s31 =	simm.s32 $0x200;
	[tilespmem:s28+$0x0] =	vst v0  }
0xa0: {  	v2 =	vld [tilespmem:s31+$0x5C0]  }
0xa1: {  	v3 =	vld [tilespmem:s31+$0x45C0]  }
0xa2: {  	v5 =	vld [tilespmem:s31+$0x5D0]  }
0xa3: {  	v6 =	vld [tilespmem:s31+$0x45D0]  }
0xa4: {  	v0 =	vld [tilespmem:s31+$0x5A0]  }
0xa5: {  	v7 =	vld [tilespmem:s31+$0x580]  }
0xa6: {  	v8 =	vld [tilespmem:s31+$0x4580]  }
0xa7: {  	v9 =	vld [tilespmem:s31+$0x590]  }
0xa8: {  	v10 =	vld [tilespmem:s31+$0x4590]  }
0xa9: {  	v11 =	vld [tilespmem:s31+$0x560]  }
0xaa: {  	v12 =	vld [tilespmem:s31+$0x4560]  }
0xab: {  	v13 =	vld [tilespmem:s31+$0x570]  }
0xac: {  	v14 =	vld [tilespmem:s31+$0x4570]  }
0xad: {  	v1 =	vld [tilespmem:s31+$0x540]  }
0xae: {  	v15 =	vld [tilespmem:s31+$0x520]  }
0xaf: {  	v16 =	vld [tilespmem:s31+$0x4520]  }
0xb0: {  	v17 =	vld [tilespmem:s31+$0x530]  }
0xb1: {  	v18 =	vld [tilespmem:s31+$0x4530]  }
0xb2: {  	v19 =	vld [tilespmem:s31+$0x500]  }
0xb3: {  	v54 =	vld [tilespmem:s31+$0x4500]  }
0xb4: {  	v55 =	vld [tilespmem:s31+$0x510]  }
0xb5: {  	v56 =	vld [tilespmem:s31+$0x4510]  }
0xb6: {  	v4 =	vld [tilespmem:s31+$0x4E0]  }
0xb7: {  	v57 =	vld [tilespmem:s31+$0x4C0]  }
0xb8: {  	v58 =	vld [tilespmem:s31+$0x44C0]  }
0xb9: {  	v59 =	vld [tilespmem:s31+$0x4D0]  }
0xba: {  	v60 =	vld [tilespmem:s31+$0x44D0];
	v2 =	vmul.f32 v3, v2;
	v3 =	vmul.f32 v6, v5  }
0xbb: {  	v61 =	vld [tilespmem:s31+$0x4A0];
	v6 =	vmul.f32 v8, v7;
	v8 =	vmul.f32 v10, v9  }
0xbc: {  	v62 =	vld [tilespmem:s31+$0x44A0];
	v2 =	vadd.f32 v3, v2  }
0xbd: {  	v63 =	vld [tilespmem:s31+$0x4450];
	v9 =	vmul.f32 v14, v13;
	v3 =	vmul.f32 v12, v11;
	v6 =	vadd.f32 v8, v6  }
0xbe: {  	v5 =	vld [tilespmem:s31+$0x4B0];
	v8 =	vmul.f32 v16, v15;
	v11 =	vmul.f32 v18, v17;
	(xrf2) =	vadd.scan.msk.f32 $0xffff, v2  }
0xbf: {  	v10 =	vld [tilespmem:s31+$0x44B0];
	v2 =	vadd.f32 v9, v3;
	(xrf2) =	vadd.scan.msk.f32 $0xffff, v6  }
0xc0: {  	v7 =	vld [tilespmem:s31+$0x480];
	v3 =	vadd.f32 v11, v8  }
0xc1: {  	v13 =	vld [tilespmem:s31+$0x460];
	(xrf2) =	vadd.scan.msk.f32 $0xffff, v2  }
0xc2: {  	v14 =	vld [tilespmem:s31+$0x4460];
	v2 =	vmul.f32 v54, v19;
	(xrf2) =	vadd.scan.msk.f32 $0xffff, v3;
	v3 =	vmul.f32 v56, v55  }
0xc3: {  	v16 =	vld [tilespmem:s31+$0x440]  }
0xc4: {  	v11 =	vld [tilespmem:s31+$0x4470];
	v3 =	vadd.f32 v3, v2  }
0xc5: {  	v12 =	vmul.f32 v58, v57;
	v15 =	vmul.f32 v60, v59;
	v6 =	vld [tilespmem:s31+$0x470]  }
0xc6: {  	v17 =	vld [tilespmem:s31+$0x4440];
	(xrf2) =	vadd.scan.msk.f32 $0xffff, v3  }
0xc7: {  	v18 =	vld [tilespmem:s31+$0x450];
	v15 =	vadd.f32 v15, v12  }
0xc8: {  	v8 =	vld [tilespmem:s31+$0x4400];
	v5 =	vmul.f32 v10, v5;
	v19 =	vmul.f32 v62, v61;
	v2, _, _ =	vpop (xrf2)  }
0xc9: {  	v9 =	vld [tilespmem:s31+$0x400];
	v3, _, _ =	vpop (xrf2);
	(xrf2) =	vadd.scan.msk.f32 $0xffff, v15  }
0xca: {  	v12 =	vld [tilespmem:s31+$0x4410];
	v19 =	vadd.f32 v5, v19;
	v6 =	vmul.f32 v11, v6  }
0xcb: {  	v10 =	vld [tilespmem:s31+$0x410];
	v14 =	vmul.f32 v14, v13  }
0xcc: {  	v13 =	vld [tilespmem:s31+$0x4420];
	(xrf2) =	vadd.scan.msk.f32 $0xffff, v19  }
0xcd: {  	v11 =	vld [tilespmem:s31+$0x420];
	v15 =	vadd.f32 v6, v14;
	v5, _, _ =	vpop (xrf2)  }
0xce: {  	s30 =	simm.s32 $0x8400;
	s0 =	simm.s32 $0x1000;
	v16 =	vmul.f32 v17, v16;
	v17 =	vmul.f32 v63, v18;
	v14 =	vld [tilespmem:s31+$0x430];
	v6, _, _ =	vpop (xrf2)  }
.LBB2_2:
0xcf: {  	p0 =	sne.s32 s0, $0xF800;
	v18 =	vld [tilespmem:s31+$0x4430];
	(xrf2) =	vadd.scan.msk.f32 $0xffff, v15  }
0xd0: {  	v19 =	vadd.f32 v17, v16;
	v16 =	vld [tilespmem:s31+$0x4480];
	v17, _, _ =	vpop (xrf2)  }
0xd1: {  	v8 =	vmul.f32 v8, v9;
	v9 =	vmul.f32 v12, v10;
	v10 =	vld [tilespmem:s31+$0x490]  }
0xd2: {  	v12 =	vld [tilespmem:s31+$0x4490];
	(xrf2) =	vadd.scan.msk.f32 $0xffff, v19  }
0xd3: {  	v8 =	vadd.f32 v9, v8;
	v9 =	vld [tilespmem:s31+$0x44E0];
	v15, _, _ =	vpop (xrf2)  }
0xd4: {  	v11 =	vmul.f32 v13, v11;
	v19 =	vmul.f32 v18, v14;
	v14 =	vld [tilespmem:s31+$0x4F0]  }
0xd5: {  	v18 =	vld [tilespmem:s31+$0x44F0];
	(xrf2) =	vadd.scan.msk.f32 $0xffff, v8  }
0xd6: {  	v8 =	vadd.f32 v19, v11;
	v11 =	vld [tilespmem:s31+$0x4540];
	v13, _, _ =	vpop (xrf2)  }
0xd7: {  	v7 =	vmul.f32 v16, v7;
	v19 =	vmul.f32 v12, v10;
	v12 =	vld [tilespmem:s31+$0x550]  }
0xd8: {  	v16 =	vld [tilespmem:s31+$0x4550];
	(xrf2) =	vadd.scan.msk.f32 $0xffff, v8  }
0xd9: {  	v7 =	vadd.f32 v19, v7;
	v8 =	vld [tilespmem:s31+$0x45A0];
	v10, _, _ =	vpop (xrf2)  }
0xda: {  	v4 =	vmul.f32 v9, v4;
	v19 =	vmul.f32 v18, v14;
	v14 =	vld [tilespmem:s31+$0x5B0]  }
0xdb: {  	v18 =	vld [tilespmem:s31+$0x45B0];
	(xrf2) =	vadd.scan.msk.f32 $0xffff, v7  }
0xdc: {  	v4 =	vadd.f32 v19, v4;
	v7 =	vld [tilespmem:s31+$0x5E0];
	v9, _, _ =	vpop (xrf2)  }
0xdd: {  	v1 =	vmul.f32 v11, v1;
	v19 =	vmul.f32 v16, v12;
	v12 =	vld [tilespmem:s31+$0x45E0]  }
0xde: {  	v16 =	vld [tilespmem:s31+$0x5F0];
	(xrf2) =	vadd.scan.msk.f32 $0xffff, v4  }
0xdf: {  	v1 =	vadd.f32 v19, v1;
	v4 =	vld [tilespmem:s31+$0x45F0];
	v11, _, _ =	vpop (xrf2)  }
0xe0: {  	v0 =	vmul.f32 v8, v0;
	v8 =	vmul.f32 v18, v14  }
0xe1: {  	(xrf2) =	vadd.scan.msk.f32 $0xffff, v1  }
0xe2: {  	v0 =	vadd.f32 v8, v0;
	v1 =	vmul.f32 v12, v7;
	v7, _, _ =	vpop (xrf2)  }
0xe3: {  	v11 =	vbroadcast v11, $0xF;
	v7 =	vbroadcast v7, $0xF  }
0xe4: {  	v9 =	vbroadcast v9, $0xF;
	v4 =	vmul.f32 v4, v16;
	(xrf2) =	vadd.scan.msk.f32 $0xffff, v0  }
0xe5: {  	v0 =	vsel vm0, v11, v7;
	v7 =	vbroadcast v10, $0xF;
	v8, _, _ =	vpop (xrf2)  }
0xe6: {  	v0 =	vsel vm1, v0, v9;
	v9 =	vbroadcast v8, $0xF;
	v1 =	vadd.f32 v4, v1  }
0xe7: {  	v4 =	vbroadcast v13, $0xF;
	v0 =	vsel vm2, v0, v7  }
0xe8: {  	v7 =	vbroadcast v15, $0xF;
	v0 =	vsel vm3, v0, v9;
	v8, _, _ =	vpop (xrf2);
	(xrf2) =	vadd.scan.msk.f32 $0xffff, v1  }
0xe9: {  	v0 =	vsel vm4, v0, v4;
	v1 =	vbroadcast v8, $0xF  }
0xea: {  	v4 =	vbroadcast v17, $0xF;
	v0 =	vsel vm5, v0, v7  }
0xeb: {  	v0 =	vsel vm6, v0, v1;
	v1 =	vbroadcast v6, $0xF;
	v6, _, _ =	vpop (xrf2)  }
0xec: {  	v0 =	vsel vm7, v0, v4;
	v6 =	vbroadcast v6, $0xF  }
0xed: {  	v0 =	vsel vm8, v0, v1;
	v1 =	vbroadcast v5, $0xF  }
0xee: {  	v3 =	vbroadcast v3, $0xF;
	v0 =	vsel vm9, v0, v6;
	v4, _, _ =	vpop (xrf2)  }
0xef: {  	v0 =	vsel vm10, v0, v1;
	v4 =	vbroadcast v4, $0xF  }
0xf0: {  	v2 =	vbroadcast v2, $0xF;
	v0 =	vsel vm11, v0, v3  }
0xf1: {  	v0 =	vsel vm12, v0, v4  }
0xf2: {  	v0 =	vsel vm13, v0, v2;
	v1, _, _ =	vpop (xrf2)  }
0xf3: {  	v0 =	vsel vm14, v0, v1  }
0xf4: {  	v0 =	vsub.f32 $0.0e+00, v0;
	_ =	sdelay $0x1  }
0xf5: {  	v0 =	vmul.f32 $1.442695020e+00, v0;
	_ =	sdelay $0x1  }
0xf6: {  	(erf) = vpow2.f32 v0;
	_ =	sdelay $0x8  }
0xf7: {  	v0 =	vpop (erf)  }
0xf8: {  	v0 =	vadd.f32 $1.000000000e+00, v0;
	_ =	sdelay $0x1  }
0xf9: {  	(erf) = vrcp.f32 v0;
	_ =	sdelay $0x8  }
0xfa: {  	s30 =	sadd.s32 $0x10, s30;
	v0 =	vpop (erf)  }
0xfb: {  	s31 =	sshra.s32 s0, $0x2;
	[tilespmem:s30+$0x0] =	vst v0  }
0xfc: {  	v2 =	vld [tilespmem:s31+$0x5C0]  }
0xfd: {  	v3 =	vld [tilespmem:s31+$0x45C0]  }
0xfe: {  	v5 =	vld [tilespmem:s31+$0x5D0]  }
0xff: {  	v6 =	vld [tilespmem:s31+$0x45D0]  }
0x100: {  	v0 =	vld [tilespmem:s31+$0x5A0]  }
0x101: {  	v7 =	vld [tilespmem:s31+$0x580]  }
0x102: {  	v8 =	vld [tilespmem:s31+$0x4580]  }
0x103: {  	v9 =	vld [tilespmem:s31+$0x590]  }
0x104: {  	v10 =	vld [tilespmem:s31+$0x4590]  }
0x105: {  	v11 =	vld [tilespmem:s31+$0x560]  }
0x106: {  	v12 =	vld [tilespmem:s31+$0x4560]  }
0x107: {  	v13 =	vld [tilespmem:s31+$0x570]  }
0x108: {  	v14 =	vld [tilespmem:s31+$0x4570]  }
0x109: {  	v1 =	vld [tilespmem:s31+$0x540]  }
0x10a: {  	v15 =	vld [tilespmem:s31+$0x520]  }
0x10b: {  	v16 =	vld [tilespmem:s31+$0x4520]  }
0x10c: {  	v17 =	vld [tilespmem:s31+$0x530]  }
0x10d: {  	v18 =	vld [tilespmem:s31+$0x4530]  }
0x10e: {  	v19 =	vld [tilespmem:s31+$0x500]  }
0x10f: {  	v20 =	vld [tilespmem:s31+$0x4500]  }
0x110: {  	v21 =	vld [tilespmem:s31+$0x510]  }
0x111: {  	v22 =	vld [tilespmem:s31+$0x4510]  }
0x112: {  	v2 =	vmul.f32 v3, v2;
	v3 =	vmul.f32 v6, v5;
	v4 =	vld [tilespmem:s31+$0x4E0]  }
0x113: {  	v5 =	vld [tilespmem:s31+$0x4C0]  }
0x114: {  	v2 =	vadd.f32 v3, v2;
	v6 =	vld [tilespmem:s31+$0x44C0]  }
0x115: {  	v7 =	vmul.f32 v8, v7;
	v8 =	vmul.f32 v10, v9;
	v3 =	vld [tilespmem:s31+$0x4D0]  }
0x116: {  	v9 =	vld [tilespmem:s31+$0x44D0];
	(xrf2) =	vadd.scan.msk.f32 $0xffff, v2  }
0x117: {  	v2 =	vadd.f32 v8, v7;
	v10 =	vld [tilespmem:s31+$0x4A0]  }
0x118: {  	v7 =	vmul.f32 v12, v11;
	v8 =	vmul.f32 v14, v13;
	v23 =	vld [tilespmem:s31+$0x44A0]  }
0x119: {  	v11 =	vld [tilespmem:s31+$0x4B0];
	(xrf2) =	vadd.scan.msk.f32 $0xffff, v2  }
0x11a: {  	v2 =	vadd.f32 v8, v7;
	v12 =	vld [tilespmem:s31+$0x44B0]  }
0x11b: {  	v13 =	vmul.f32 v18, v17;
	v8 =	vmul.f32 v16, v15;
	v7 =	vld [tilespmem:s31+$0x480]  }
0x11c: {  	v14 =	vld [tilespmem:s31+$0x460];
	(xrf2) =	vadd.scan.msk.f32 $0xffff, v2  }
0x11d: {  	v24 =	vadd.f32 v13, v8;
	v15 =	vld [tilespmem:s31+$0x4460]  }
0x11e: {  	v16 =	vmul.f32 v22, v21;
	v8 =	vmul.f32 v20, v19;
	v13 =	vld [tilespmem:s31+$0x470]  }
0x11f: {  	v17 =	vld [tilespmem:s31+$0x4470];
	(xrf2) =	vadd.scan.msk.f32 $0xffff, v24  }
0x120: {  	v8 =	vadd.f32 v16, v8;
	v18 =	vld [tilespmem:s31+$0x440];
	v2, _, _ =	vpop (xrf2)  }
0x121: {  	v5 =	vmul.f32 v6, v5;
	v6 =	vmul.f32 v9, v3;
	v16 =	vld [tilespmem:s31+$0x4440]  }
0x122: {  	v19 =	vld [tilespmem:s31+$0x450];
	(xrf2) =	vadd.scan.msk.f32 $0xffff, v8  }
0x123: {  	v21 =	vadd.f32 v6, v5;
	v20 =	vld [tilespmem:s31+$0x4450];
	v3, _, _ =	vpop (xrf2)  }
0x124: {  	v6 =	vmul.f32 v23, v10;
	v11 =	vmul.f32 v12, v11;
	v8 =	vld [tilespmem:s31+$0x4400]  }
0x125: {  	v9 =	vld [tilespmem:s31+$0x400];
	(xrf2) =	vadd.scan.msk.f32 $0xffff, v21  }
.Ltmp0:
0x126: {  	v21 =	vadd.f32 v11, v6;
	v10 =	vld [tilespmem:s31+$0x410];
	v5, _, _ =	vpop (xrf2);
	(pc) =	sbr.rel @p0 .LBB2_2-.Ltmp0, $4  }
0x127: {  	v14 =	vmul.f32 v15, v14;
	v15 =	vmul.f32 v17, v13;
	v12 =	vld [tilespmem:s31+$0x4410]  }
0x128: {  	v11 =	vld [tilespmem:s31+$0x420];
	(xrf2) =	vadd.scan.msk.f32 $0xffff, v21  }
0x129: {  	v15 =	vadd.f32 v15, v14;
	v13 =	vld [tilespmem:s31+$0x4420];
	v6, _, _ =	vpop (xrf2)  }
0x12a: {  	s0 =	sadd.s32 $0x800, s0;
	v16 =	vmul.f32 v16, v18;
	v17 =	vmul.f32 v20, v19;
	v14 =	vld [tilespmem:s31+$0x430]  }
0x12b: {  	v18 =	vld [tilespmem:s31+$0x4430]  }
0x12c: {  	v19 =	vld [tilespmem:s31+$0x4480]  }
0x12d: {  	v20 =	vld [tilespmem:s31+$0x490]  }
0x12e: {  	v21 =	vld [tilespmem:s31+$0x4490]  }
0x12f: {  	v8 =	vmul.f32 v8, v9;
	v63 =	vld [tilespmem:s31+$0x44E0];
	v62 =	vmul.f32 v12, v10  }
0x130: {  	v24 =	vld [tilespmem:s31+$0x4F0];
	v22 =	vadd.f32 v17, v16;
	v11 =	vmul.f32 v13, v11;
	v23 =	vmul.f32 v18, v14  }
0x131: {  	(xrf2) =	vadd.scan.msk.f32 $0xffff, v15;
	v25 =	vld [tilespmem:s31+$0x44F0];
	v8 =	vadd.f32 v62, v8  }
0x132: {  	v26 =	vld [tilespmem:s31+$0x4540];
	(xrf2) =	vadd.scan.msk.f32 $0xffff, v22;
	v11 =	vadd.f32 v23, v11  }
0x133: {  	v28 =	vld [tilespmem:s31+$0x550];
	(xrf2) =	vadd.scan.msk.f32 $0xffff, v8;
	v7 =	vmul.f32 v19, v7;
	v27 =	vmul.f32 v21, v20  }
0x134: {  	v29 =	vld [tilespmem:s31+$0x4550];
	(xrf2) =	vadd.scan.msk.f32 $0xffff, v11  }
0x135: {  	v30 =	vld [tilespmem:s31+$0x45A0];
	v7 =	vadd.f32 v27, v7  }
0x136: {  	v31 =	vld [tilespmem:s31+$0x5B0];
	v4 =	vmul.f32 v63, v4;
	v9 =	vmul.f32 v25, v24  }
0x137: {  	v32 =	vld [tilespmem:s31+$0x45B0];
	(xrf2) =	vadd.scan.msk.f32 $0xffff, v7  }
0x138: {  	v34 =	vld [tilespmem:s31+$0x5E0];
	v33, _, _ =	vpop (xrf2);
	v4 =	vadd.f32 v9, v4  }
0x139: {  	v37 =	vld [tilespmem:s31+$0x45E0];
	v35, _, _ =	vpop (xrf2);
	v1 =	vmul.f32 v26, v1;
	v36 =	vmul.f32 v29, v28  }
0x13a: {  	v39 =	vld [tilespmem:s31+$0x5F0];
	v38, _, _ =	vpop (xrf2);
	(xrf2) =	vadd.scan.msk.f32 $0xffff, v4  }
0x13b: {  	v41 =	vld [tilespmem:s31+$0x45F0];
	v1 =	vadd.f32 v36, v1;
	v40, _, _ =	vpop (xrf2)  }
0x13c: {  	v0 =	vmul.f32 v30, v0;
	v43 =	vmul.f32 v32, v31;
	v42, _, _ =	vpop (xrf2)  }
0x13d: {  	(xrf2) =	vadd.scan.msk.f32 $0xffff, v1;
	v44, _, _ =	vpop (xrf2)  }
0x13e: {  	v45 =	vmul.f32 v37, v34;
	v0 =	vadd.f32 v43, v0;
	v46, _, _ =	vpop (xrf2)  }
0x13f: {  	v47 =	vbroadcast v44, $0xF;
	v8 =	vbroadcast v46, $0xF  }
0x140: {  	v49 =	vmul.f32 v41, v39;
	(xrf2) =	vadd.scan.msk.f32 $0xffff, v0;
	v48 =	vbroadcast v42, $0xF  }
0x141: {  	v4 =	vbroadcast v40, $0xF;
	v51, _, _ =	vpop (xrf2);
	v50 =	vsel vm0, v47, v8  }
0x142: {  	v1 =	vadd.f32 v49, v45;
	v8 =	vbroadcast v51, $0xF;
	v0 =	vsel vm1, v50, v48  }
0x143: {  	v52 =	vbroadcast v38, $0xF;
	v0 =	vsel vm2, v0, v4  }
0x144: {  	v53 =	vbroadcast v35, $0xF;
	v54, _, _ =	vpop (xrf2);
	(xrf2) =	vadd.scan.msk.f32 $0xffff, v1;
	v0 =	vsel vm3, v0, v8  }
0x145: {  	v55 =	vbroadcast v54, $0xF;
	v0 =	vsel vm4, v0, v52  }
0x146: {  	v56 =	vbroadcast v33, $0xF;
	v0 =	vsel vm5, v0, v53  }
0x147: {  	v57 =	vbroadcast v6, $0xF;
	v58, _, _ =	vpop (xrf2);
	v0 =	vsel vm6, v0, v55  }
0x148: {  	v59 =	vbroadcast v58, $0xF;
	v0 =	vsel vm7, v0, v56  }
0x149: {  	v60 =	vbroadcast v5, $0xF;
	v0 =	vsel vm8, v0, v57  }
0x14a: {  	v3 =	vbroadcast v3, $0xF;
	v61, _, _ =	vpop (xrf2);
	v0 =	vsel vm9, v0, v59  }
0x14b: {  	v62 =	vbroadcast v61, $0xF;
	v0 =	vsel vm10, v0, v60  }
0x14c: {  	v2 =	vbroadcast v2, $0xF;
	v0 =	vsel vm11, v0, v3  }
0x14d: {  	v0 =	vsel vm12, v0, v62  }
0x14e: {  	v63, _, _ =	vpop (xrf2);
	v0 =	vsel vm13, v0, v2  }
0x14f: {  	v0 =	vsel vm14, v0, v63  }
0x150: {  	v0 =	vsub.f32 $0.0e+00, v0;
	_ =	sdelay $0x1  }
0x151: {  	v0 =	vmul.f32 $1.442695020e+00, v0;
	_ =	sdelay $0x1  }
0x152: {  	(erf) = vpow2.f32 v0;
	_ =	sdelay $0x8  }
0x153: {  	v0 =	vpop (erf)  }
0x154: {  	v0 =	vadd.f32 $1.000000000e+00, v0;
	_ =	sdelay $0x1  }
0x155: {  	(erf) = vrcp.f32 v0;
	_ =	sdelay $0x7  }
0x156: {  	s29 =	sadd.s32 $0x1, s29  }
0x157: {  	s0 =	sadd.s32 $0x10, s30;
	p0 =	sne.s32 s29, s8;
	v0 =	vpop (erf)  }
.Ltmp1:
0x158: {  	[tilespmem:s0+$0x0] =	vst v0;
	(pc) =	sbr.rel @p0 .LBB2_1-.Ltmp1, $4  }
0x159: {  	[hbm4b:s7+s1] =	stream.linear.scatter [tilespmem:s28], [sflag:$0x3], $0x200, $0x38;
	[tilespmem:$0x8600] =	vst v63  }
0x15a: {  	_ =	swait.ge [sflag:s9], $0x200  }
0x15b: {  	[sflag:s9] =	ssyncset.done $0x0  }
0x15c: {  	[sflag:s9] =	ssyncadd.s32 $0xFFFFFE00  }
0x15d: {  	_ =	sfence.sel $0x180000  }
0x15e: {  	[bflag:$0x0] =	sbarrier.arrive $0xFFFF  }
0x15f: {  	_ =	strace $0x90000047  }
0x160: {  	[bflag:$0x2] =	sbarrier.arrive $0xFFFF  }
0x161: {  	p0 =	sne.s32 s2, $0x0;
	s0 =	rddreg [dreg:$0x4]  }
0x162: {  	s0 =	sadd.s32 @!p0 $0x100000, s0  }
0x163: {  	[sflag:s0] =	ssyncadd.tile.s32 @!p0 $0x1;
	_ =	shalt  }
.Lfunc_end2:
_tile_overlayer_lowered:
.L_overlay_start_2:
0x164: {  	(tag) =	ssettag $0x2  }
0x165: {  	s0 =	rddreg [dreg:$0x0];
	s2 =	stileid.u32  }
0x166: {  	s1 =	rddreg [dreg:$0x1];
	p0 =	sne.s32 s2, $0x0  }
0x167: {  	s3 =	rddreg [dreg:$0x2];
	[bflag:$0x3] =	sbarrier.arrive $0xFFFF;
	s2 =	simm.s32 @!p0 $0x1C03  }
0x168: {  	[timem:s3], [sflag:s2] =	dma.local @!p0 [hbm:s0], s1  }
0x169: {  	s0 =	simm.s32 @!p0 $0x3  }
0x16a: {  	_ =	swait.ge @!p0 [sflag:s0], s1  }
0x16b: {  	s1 =	ssub.s32 @!p0 $0x0, s1;
	[sflag:s0] =	ssyncset.done @!p0 $0x0  }
0x16c: {  	[sflag:s0] =	ssyncadd.s32 @!p0 s1  }
0x16d: {  	[bflag:$0x3] =	sbarrier.arrive $0xFFFF  }
0x16e: {  	_ =	shalt  }

</sc_bundles>
